<compile_context>
chip_gen: v7x
topology: tpu7x:2x2x1
jax: 0.10.2.dev20260603
libtpu: 0.0.44.dev20260713+nightly
codegen_flags: <defaults>
</compile_context>

<pallas_src>
import functools

import numpy as np

import jax
import jax.numpy as jnp
from jax import lax
from jax.experimental import pallas as pl
from jax.experimental.pallas import tpu as pltpu
from jax.experimental.pallas import tpu_sc as plsc

B = 16384
F = 26
V = 100000
D = 32
IN_DIM = F * D
H1 = 256
H2 = 128

WIDE = 128
QPR = WIDE // D
VP = 100352
VB = VP // QPR
CBLK = 50176
NCB = VP // CBLK
SBLK = CBLK // QPR

_H = np.zeros((QPR, D, WIDE), np.float32)
for _q in range(QPR):
    _H[_q, :, _q * D:(_q + 1) * D] = np.eye(D, dtype=np.float32)

_info = plsc.get_sparse_core_info()
NC, NS = _info.num_cores, _info.num_subcores
NW = NC * NS

ROWS_PW = (B * F) // NW
IDX_MINOR = 128
N_IDX_ROWS = ROWS_PW // IDX_MINOR
GPC = 13
CHUNK_ROWS = GPC * IDX_MINOR
N_CHUNKS = N_IDX_ROWS // GPC


@functools.partial(
    pl.kernel,
    mesh=plsc.VectorSubcoreMesh(core_axis_name="c", subcore_axis_name="s"),
    out_type=jax.ShapeDtypeStruct((B * F, D), jnp.float32),
    scratch_types=[
        pltpu.VMEM((N_IDX_ROWS, IDX_MINOR), jnp.int32),
        pltpu.VMEM((2, CHUNK_ROWS, D), jnp.float32),
        pltpu.SemaphoreType.DMA,
        pltpu.SemaphoreType.DMA,
    ],
    compiler_params=pltpu.CompilerParams(use_tc_tiling_on_sc=False),
)
def _sc_gather(idx_hbm, tables_hbm, out_hbm, idx_v, rows_v, sem0, sem1):
    wid = lax.axis_index("s") * NC + lax.axis_index("c")
    pltpu.sync_copy(idx_hbm.at[wid], idx_v)
    base = wid * ROWS_PW
    sems = (sem0, sem1)

    def pair_body(i, carry):
        copies = [[], []]
        for h in range(2):
            c = i * 2 + h
            for j in range(GPC):
                copies[h].append(pltpu.async_copy(
                    tables_hbm.at[idx_v.at[c * GPC + j]],
                    rows_v.at[h, pl.ds(j * IDX_MINOR, IDX_MINOR), :],
                    sems[h]))
        for h in range(2):
            c = i * 2 + h
            for cp in copies[h]:
                cp.wait()
            pltpu.sync_copy(
                rows_v.at[h],
                out_hbm.at[pl.ds(base + c * CHUNK_ROWS, CHUNK_ROWS)])
        return carry

    lax.fori_loop(0, N_CHUNKS // 2, pair_body, 0)


def _tr_body(t_ref, h_ref, o_ref):
    blk = t_ref[0]
    acc = None
    for q in range(QPR):
        sub = blk[:, q * SBLK:(q + 1) * SBLK]
        part = jax.lax.dot_general(
            sub, h_ref[q * D:(q + 1) * D, :], (((0,), (0,)), ((), ())),
            preferred_element_type=jnp.float32)
        acc = part if acc is None else acc + part
    o_ref[0] = acc


def _transpose(t3):
    return pl.pallas_call(
        _tr_body,
        grid=(F, NCB),
        in_specs=[
            pl.BlockSpec((1, D, CBLK), lambda f, c: (f, 0, c)),
            pl.BlockSpec((QPR * D, WIDE), lambda f, c: (0, 0)),
        ],
        out_specs=pl.BlockSpec((1, SBLK, WIDE), lambda f, c: (f, c, 0)),
        out_shape=jax.ShapeDtypeStruct((F, VB, WIDE), jnp.float32),
        compiler_params=pltpu.CompilerParams(
            fuse_transposed_lhs_in_matmul=True),
    )(t3, jnp.asarray(_H.reshape(QPR * D, WIDE)))


def _mlp_body(emb_ref, w1_ref, b1_ref, w2_ref, b2_ref, out_ref):
    h = jnp.dot(emb_ref[...], w1_ref[...],
                preferred_element_type=jnp.float32) + b1_ref[...]
    h = jnp.maximum(h, 0.0)
    out_ref[...] = jnp.dot(h, w2_ref[...],
                           preferred_element_type=jnp.float32) + b2_ref[...]


MLP_BLK = 1024


def _mlp(emb, W1, b1, W2, b2):
    return pl.pallas_call(
        _mlp_body,
        grid=(B // MLP_BLK,),
        in_specs=[
            pl.BlockSpec((MLP_BLK, IN_DIM), lambda i: (i, 0)),
            pl.BlockSpec((IN_DIM, H1), lambda i: (0, 0)),
            pl.BlockSpec((1, H1), lambda i: (0, 0)),
            pl.BlockSpec((H1, H2), lambda i: (0, 0)),
            pl.BlockSpec((1, H2), lambda i: (0, 0)),
        ],
        out_specs=pl.BlockSpec((MLP_BLK, H2), lambda i: (i, 0)),
        out_shape=jax.ShapeDtypeStruct((B, H2), jnp.float32),
    )(emb, W1, b1.reshape(1, H1), W2, b2.reshape(1, H2))


def kernel(x, tables, W1, b1, W2, b2):
    xi = x.astype(jnp.int32)
    c = xi // CBLK
    r = xi % CBLK
    s = r // SBLK
    vb = r % SBLK
    fofs = (jnp.arange(F, dtype=jnp.int32) * VB)[None, :]
    idx = ((fofs + c * SBLK + vb) << 2) + s
    idx = idx.reshape(NW, N_IDX_ROWS, IDX_MINOR)
    wide = _transpose(jnp.transpose(tables, (0, 2, 1)))
    flat = wide.reshape(F * VB * QPR, D)
    emb = _sc_gather(idx, flat)
    return _mlp(emb.reshape(B, IN_DIM), W1, b1, W2, b2)

# --- scband reference (transcript-rebuilt; emitter-appended) ---
"""Pipeline reference for scband-mlpitem-encoder-55052890800237 (READ-ONLY COPY).

The authoritative reference and input builder live on the scoring server;
editing this copy changes nothing except your own understanding.
"""

import jax, jax.numpy as jnp
import numpy as np

B = 16384
F = 26
V = 100000
D = 32
IN_DIM = F * D  # 832
H1 = 256
H2 = 128


def setup_inputs(seed: int = 0) -> dict:
    key = jax.random.key(seed)
    k0, k1, k2, k3 = jax.random.split(key, 4)
    x = jax.random.randint(k0, (B, F), 0, V, dtype=jnp.int64)
    tables = jax.random.normal(k1, (F, V, D), dtype=jnp.float32) * 0.02
    W1 = jax.random.normal(k2, (IN_DIM, H1), dtype=jnp.float32) * (1.0 / np.sqrt(IN_DIM))
    b1 = jnp.zeros((H1,), dtype=jnp.float32)
    W2 = jax.random.normal(k3, (H1, H2), dtype=jnp.float32) * (1.0 / np.sqrt(H1))
    b2 = jnp.zeros((H2,), dtype=jnp.float32)
    return {"x": x, "tables": tables, "W1": W1, "b1": b1, "W2": W2, "b2": b2}


def reference(x, tables, W1, b1, W2, b2):
    # MultiFeatEmbedding: per-field embedding lookup then concat
    # tables: [F, V, D]; x: [B, F] -> emb: [B, F, D]
    emb = jax.vmap(lambda t, idx: jnp.take(t, idx, axis=0), in_axes=(0, 1), out_axes=1)(tables, x)
    emb = emb.reshape(emb.shape[0], F * D)  # concat_embeddings=True -> [B, F*D]
    # MLPModule: Linear(832->256) + ReLU, Linear(256->128), last_activation=False,
    # batch_norm=False, dropout=0.0 (inference no-op)
    h = emb @ W1 + b1
    h = jax.nn.relu(h)
    out = h @ W2 + b2
    return out

if __name__ == "__main__":
    import jax
    _d = setup_inputs()
    print(jax.jit(kernel)(*tuple(_d.values())))

</pallas_src>

<mosaic_0001>
#map = affine_map<(d0, d1) -> (0, 0, 0)>
#map1 = affine_map<(d0, d1) -> (0, 0)>
module attributes {stable_mosaic.version = 14 : i64} {
  func.func @_sc_gather(%arg0: i32, %arg1: i32, %arg2: memref<32x104x128xi32, #tpu.memory_space<hbm>>, %arg3: memref<2609152x32xf32, #tpu.memory_space<hbm>>, %arg4: memref<425984x32xf32, #tpu.memory_space<hbm>>, %arg5: memref<104x128xi32, #tpu.memory_space<vmem>>, %arg6: memref<2x1664x32xf32, #tpu.memory_space<vmem>>, %arg7: memref<!tpu.dma_semaphore, #tpu.memory_space<semaphore_mem>>, %arg8: memref<!tpu.dma_semaphore, #tpu.memory_space<semaphore_mem>>) attributes {dimension_semantics = [#tpu.dimension_semantics<core_parallel>, #tpu.dimension_semantics<subcore_parallel>], iteration_bounds = array<i64: 2, 16>, scalar_prefetch = 0 : i64, scratch_operands = 4 : i64, tpu.core_type = #tpu.core_type<sc_vector_subcore>, window_params = [{transform_indices = #map}, {transform_indices = #map1}, {transform_indices = #map1}]} {
    %mul3A = arith.constant 2 : i32
    %mul3A_0 = arith.muli %arg1, %mul3A : i32
    %add3A = arith.addi %mul3A_0, %arg0 : i32
    "tpu.region"() ({
      %run_scoped3A = tpu.sem_alloc : memref<!tpu.dma_semaphore, #tpu.memory_space<semaphore_mem>>
      %dma_start3A = arith.constant 0 : i32
      %dma_start3A_8 = arith.constant 0 : i32
      %dma_start3A_9 = tpu.memref_slice %arg2[%add3A, %dma_start3A, %dma_start3A_8] : memref<32x104x128xi32, #tpu.memory_space<hbm>> -> memref<1x104x128xi32, #tpu.memory_space<hbm>>
      %dma_start3A_10 = tpu.memref_squeeze %dma_start3A_9 : memref<1x104x128xi32, #tpu.memory_space<hbm>> -> memref<104x128xi32, #tpu.memory_space<hbm>>
      %dma_start3A_11 = arith.constant 0 : i32
      %dma_start3A_12 = arith.constant 0 : i32
      %dma_start3A_13 = tpu.memref_slice %arg2[%add3A, %dma_start3A_11, %dma_start3A_12] : memref<32x104x128xi32, #tpu.memory_space<hbm>> -> memref<1x104x128xi32, #tpu.memory_space<hbm>>
      %dma_start3A_14 = tpu.memref_squeeze %dma_start3A_13 : memref<1x104x128xi32, #tpu.memory_space<hbm>> -> memref<104x128xi32, #tpu.memory_space<hbm>>
      tpu.enqueue_dma source(%dma_start3A_14 : memref<104x128xi32, #tpu.memory_space<hbm>>) target(%arg5 : memref<104x128xi32, #tpu.memory_space<vmem>>) target_semaphore(%run_scoped3A : memref<!tpu.dma_semaphore, #tpu.memory_space<semaphore_mem>>)
      %dma_wait3A = arith.constant 0 : i32
      %dma_wait3A_15 = arith.constant 0 : i32
      %dma_wait3A_16 = tpu.memref_slice %arg2[%add3A, %dma_wait3A, %dma_wait3A_15] : memref<32x104x128xi32, #tpu.memory_space<hbm>> -> memref<1x104x128xi32, #tpu.memory_space<hbm>>
      %dma_wait3A_17 = tpu.memref_squeeze %dma_wait3A_16 : memref<1x104x128xi32, #tpu.memory_space<hbm>> -> memref<104x128xi32, #tpu.memory_space<hbm>>
      %dma_wait3A_18 = arith.constant 0 : i32
      %dma_wait3A_19 = arith.constant 0 : i32
      %dma_wait3A_20 = tpu.memref_slice %arg2[%add3A, %dma_wait3A_18, %dma_wait3A_19] : memref<32x104x128xi32, #tpu.memory_space<hbm>> -> memref<1x104x128xi32, #tpu.memory_space<hbm>>
      %dma_wait3A_21 = tpu.memref_squeeze %dma_wait3A_20 : memref<1x104x128xi32, #tpu.memory_space<hbm>> -> memref<104x128xi32, #tpu.memory_space<hbm>>
      tpu.wait_dma2 semaphore(%run_scoped3A : memref<!tpu.dma_semaphore, #tpu.memory_space<semaphore_mem>>) src(%dma_wait3A_21 : memref<104x128xi32, #tpu.memory_space<hbm>>) dst(%arg5 : memref<104x128xi32, #tpu.memory_space<vmem>>)
      tpu.yield
    }) : () -> ()
    %mul3A_1 = arith.constant 13312 : i32
    %mul3A_2 = arith.muli %add3A, %mul3A_1 : i32
    %scan3A = arith.constant 0 : i32
    %scan3A_3 = arith.constant 0 : i32
    %scan3A_4 = arith.constant 4 : i32
    %scan3A_5 = arith.addi %scan3A_3, %scan3A_4 : i32
    %scan3A_6 = arith.constant 1 : i32
    scf.for %scan3A_8 = %scan3A_3 to %scan3A_5 step %scan3A_6  : i32 {
      %mul3A_9 = arith.constant 2 : i32
      %mul3A_10 = arith.muli %scan3A_8, %mul3A_9 : i32
      %add3A_11 = arith.constant 0 : i32
      %add3A_12 = arith.addi %mul3A_10, %add3A_11 : i32
      %mul3A_13 = arith.constant 13 : i32
      %mul3A_14 = arith.muli %add3A_12, %mul3A_13 : i32
      %add3A_15 = arith.constant 0 : i32
      %add3A_16 = arith.addi %mul3A_14, %add3A_15 : i32
      %dma_start3A = arith.constant 0 : i32
      %dma_start3A_17 = arith.constant 0 : i32
      %dma_start3A_18 = arith.constant 0 : i32
      %dma_start3A_19 = tpu.memref_slice %arg6[%dma_start3A, %dma_start3A_17, %dma_start3A_18] : memref<2x1664x32xf32, #tpu.memory_space<vmem>> -> memref<1x128x32xf32, #tpu.memory_space<vmem>>
      %dma_start3A_20 = tpu.memref_squeeze %dma_start3A_19 : memref<1x128x32xf32, #tpu.memory_space<vmem>> -> memref<128x32xf32, #tpu.memory_space<vmem>>
      %dma_start3A_21 = arith.constant 0 : i32
      %dma_start3A_22 = tpu.memref_slice %arg5[%add3A_16, %dma_start3A_21] : memref<104x128xi32, #tpu.memory_space<vmem>> -> memref<1x128xi32, #tpu.memory_space<vmem>>
      %dma_start3A_23 = tpu.memref_squeeze %dma_start3A_22 : memref<1x128xi32, #tpu.memory_space<vmem>> -> memref<128xi32, #tpu.memory_space<vmem>>
      %dma_start3A_24 = arith.constant 0 : i32
      %dma_start3A_25 = arith.constant 0 : i32
      %dma_start3A_26 = tpu.memref_slice %arg3[%dma_start3A_24, %dma_start3A_25] : memref<2609152x32xf32, #tpu.memory_space<hbm>> -> memref<2609152x32xf32, #tpu.memory_space<hbm>>
      tpu.enqueue_indirect_dma source(%dma_start3A_26 : memref<2609152x32xf32, #tpu.memory_space<hbm>>) target(%dma_start3A_20 : memref<128x32xf32, #tpu.memory_space<vmem>>) offsets(%dma_start3A_23 : memref<128xi32, #tpu.memory_space<vmem>>) semaphore(%arg7 : memref<!tpu.dma_semaphore, #tpu.memory_space<semaphore_mem>>)
      %mul3A_27 = arith.constant 13 : i32
      %mul3A_28 = arith.muli %add3A_12, %mul3A_27 : i32
      %add3A_29 = arith.constant 1 : i32
      %add3A_30 = arith.addi %mul3A_28, %add3A_29 : i32
      %dma_start3A_31 = arith.constant 0 : i32
      %dma_start3A_32 = arith.constant 128 : i32
      %dma_start3A_33 = arith.constant 0 : i32
      %dma_start3A_34 = tpu.memref_slice %arg6[%dma_start3A_31, %dma_start3A_32, %dma_start3A_33] : memref<2x1664x32xf32, #tpu.memory_space<vmem>> -> memref<1x128x32xf32, #tpu.memory_space<vmem>>
      %dma_start3A_35 = tpu.memref_squeeze %dma_start3A_34 : memref<1x128x32xf32, #tpu.memory_space<vmem>> -> memref<128x32xf32, #tpu.memory_space<vmem>>
      %dma_start3A_36 = arith.constant 0 : i32
      %dma_start3A_37 = tpu.memref_slice %arg5[%add3A_30, %dma_start3A_36] : memref<104x128xi32, #tpu.memory_space<vmem>> -> memref<1x128xi32, #tpu.memory_space<vmem>>
      %dma_start3A_38 = tpu.memref_squeeze %dma_start3A_37 : memref<1x128xi32, #tpu.memory_space<vmem>> -> memref<128xi32, #tpu.memory_space<vmem>>
      %dma_start3A_39 = arith.constant 0 : i32
      %dma_start3A_40 = arith.constant 0 : i32
      %dma_start3A_41 = tpu.memref_slice %arg3[%dma_start3A_39, %dma_start3A_40] : memref<2609152x32xf32, #tpu.memory_space<hbm>> -> memref<2609152x32xf32, #tpu.memory_space<hbm>>
      tpu.enqueue_indirect_dma source(%dma_start3A_41 : memref<2609152x32xf32, #tpu.memory_space<hbm>>) target(%dma_start3A_35 : memref<128x32xf32, #tpu.memory_space<vmem>>) offsets(%dma_start3A_38 : memref<128xi32, #tpu.memory_space<vmem>>) semaphore(%arg7 : memref<!tpu.dma_semaphore, #tpu.memory_space<semaphore_mem>>)
      %mul3A_42 = arith.constant 13 : i32
      %mul3A_43 = arith.muli %add3A_12, %mul3A_42 : i32
      %add3A_44 = arith.constant 2 : i32
      %add3A_45 = arith.addi %mul3A_43, %add3A_44 : i32
      %dma_start3A_46 = arith.constant 0 : i32
      %dma_start3A_47 = arith.constant 256 : i32
      %dma_start3A_48 = arith.constant 0 : i32
      %dma_start3A_49 = tpu.memref_slice %arg6[%dma_start3A_46, %dma_start3A_47, %dma_start3A_48] : memref<2x1664x32xf32, #tpu.memory_space<vmem>> -> memref<1x128x32xf32, #tpu.memory_space<vmem>>
      %dma_start3A_50 = tpu.memref_squeeze %dma_start3A_49 : memref<1x128x32xf32, #tpu.memory_space<vmem>> -> memref<128x32xf32, #tpu.memory_space<vmem>>
      %dma_start3A_51 = arith.constant 0 : i32
      %dma_start3A_52 = tpu.memref_slice %arg5[%add3A_45, %dma_start3A_51] : memref<104x128xi32, #tpu.memory_space<vmem>> -> memref<1x128xi32, #tpu.memory_space<vmem>>
      %dma_start3A_53 = tpu.memref_squeeze %dma_start3A_52 : memref<1x128xi32, #tpu.memory_space<vmem>> -> memref<128xi32, #tpu.memory_space<vmem>>
      %dma_start3A_54 = arith.constant 0 : i32
      %dma_start3A_55 = arith.constant 0 : i32
      %dma_start3A_56 = tpu.memref_slice %arg3[%dma_start3A_54, %dma_start3A_55] : memref<2609152x32xf32, #tpu.memory_space<hbm>> -> memref<2609152x32xf32, #tpu.memory_space<hbm>>
      tpu.enqueue_indirect_dma source(%dma_start3A_56 : memref<2609152x32xf32, #tpu.memory_space<hbm>>) target(%dma_start3A_50 : memref<128x32xf32, #tpu.memory_space<vmem>>) offsets(%dma_start3A_53 : memref<128xi32, #tpu.memory_space<vmem>>) semaphore(%arg7 : memref<!tpu.dma_semaphore, #tpu.memory_space<semaphore_mem>>)
      %mul3A_57 = arith.constant 13 : i32
      %mul3A_58 = arith.muli %add3A_12, %mul3A_57 : i32
      %add3A_59 = arith.constant 3 : i32
      %add3A_60 = arith.addi %mul3A_58, %add3A_59 : i32
      %dma_start3A_61 = arith.constant 0 : i32
      %dma_start3A_62 = arith.constant 384 : i32
      %dma_start3A_63 = arith.constant 0 : i32
      %dma_start3A_64 = tpu.memref_slice %arg6[%dma_start3A_61, %dma_start3A_62, %dma_start3A_63] : memref<2x1664x32xf32, #tpu.memory_space<vmem>> -> memref<1x128x32xf32, #tpu.memory_space<vmem>>
      %dma_start3A_65 = tpu.memref_squeeze %dma_start3A_64 : memref<1x128x32xf32, #tpu.memory_space<vmem>> -> memref<128x32xf32, #tpu.memory_space<vmem>>
      %dma_start3A_66 = arith.constant 0 : i32
      %dma_start3A_67 = tpu.memref_slice %arg5[%add3A_60, %dma_start3A_66] : memref<104x128xi32, #tpu.memory_space<vmem>> -> memref<1x128xi32, #tpu.memory_space<vmem>>
      %dma_start3A_68 = tpu.memref_squeeze %dma_start3A_67 : memref<1x128xi32, #tpu.memory_space<vmem>> -> memref<128xi32, #tpu.memory_space<vmem>>
      %dma_start3A_69 = arith.constant 0 : i32
      %dma_start3A_70 = arith.constant 0 : i32
      %dma_start3A_71 = tpu.memref_slice %arg3[%dma_start3A_69, %dma_start3A_70] : memref<2609152x32xf32, #tpu.memory_space<hbm>> -> memref<2609152x32xf32, #tpu.memory_space<hbm>>
      tpu.enqueue_indirect_dma source(%dma_start3A_71 : memref<2609152x32xf32, #tpu.memory_space<hbm>>) target(%dma_start3A_65 : memref<128x32xf32, #tpu.memory_space<vmem>>) offsets(%dma_start3A_68 : memref<128xi32, #tpu.memory_space<vmem>>) semaphore(%arg7 : memref<!tpu.dma_semaphore, #tpu.memory_space<semaphore_mem>>)
      %mul3A_72 = arith.constant 13 : i32
      %mul3A_73 = arith.muli %add3A_12, %mul3A_72 : i32
      %add3A_74 = arith.constant 4 : i32
      %add3A_75 = arith.addi %mul3A_73, %add3A_74 : i32
      %dma_start3A_76 = arith.constant 0 : i32
      %dma_start3A_77 = arith.constant 512 : i32
      %dma_start3A_78 = arith.constant 0 : i32
      %dma_start3A_79 = tpu.memref_slice %arg6[%dma_start3A_76, %dma_start3A_77, %dma_start3A_78] : memref<2x1664x32xf32, #tpu.memory_space<vmem>> -> memref<1x128x32xf32, #tpu.memory_space<vmem>>
      %dma_start3A_80 = tpu.memref_squeeze %dma_start3A_79 : memref<1x128x32xf32, #tpu.memory_space<vmem>> -> memref<128x32xf32, #tpu.memory_space<vmem>>
      %dma_start3A_81 = arith.constant 0 : i32
      %dma_start3A_82 = tpu.memref_slice %arg5[%add3A_75, %dma_start3A_81] : memref<104x128xi32, #tpu.memory_space<vmem>> -> memref<1x128xi32, #tpu.memory_space<vmem>>
      %dma_start3A_83 = tpu.memref_squeeze %dma_start3A_82 : memref<1x128xi32, #tpu.memory_space<vmem>> -> memref<128xi32, #tpu.memory_space<vmem>>
      %dma_start3A_84 = arith.constant 0 : i32
      %dma_start3A_85 = arith.constant 0 : i32
      %dma_start3A_86 = tpu.memref_slice %arg3[%dma_start3A_84, %dma_start3A_85] : memref<2609152x32xf32, #tpu.memory_space<hbm>> -> memref<2609152x32xf32, #tpu.memory_space<hbm>>
      tpu.enqueue_indirect_dma source(%dma_start3A_86 : memref<2609152x32xf32, #tpu.memory_space<hbm>>) target(%dma_start3A_80 : memref<128x32xf32, #tpu.memory_space<vmem>>) offsets(%dma_start3A_83 : memref<128xi32, #tpu.memory_space<vmem>>) semaphore(%arg7 : memref<!tpu.dma_semaphore, #tpu.memory_space<semaphore_mem>>)
      %mul3A_87 = arith.constant 13 : i32
      %mul3A_88 = arith.muli %add3A_12, %mul3A_87 : i32
      %add3A_89 = arith.constant 5 : i32
      %add3A_90 = arith.addi %mul3A_88, %add3A_89 : i32
      %dma_start3A_91 = arith.constant 0 : i32
      %dma_start3A_92 = arith.constant 640 : i32
      %dma_start3A_93 = arith.constant 0 : i32
      %dma_start3A_94 = tpu.memref_slice %arg6[%dma_start3A_91, %dma_start3A_92, %dma_start3A_93] : memref<2x1664x32xf32, #tpu.memory_space<vmem>> -> memref<1x128x32xf32, #tpu.memory_space<vmem>>
      %dma_start3A_95 = tpu.memref_squeeze %dma_start3A_94 : memref<1x128x32xf32, #tpu.memory_space<vmem>> -> memref<128x32xf32, #tpu.memory_space<vmem>>
      %dma_start3A_96 = arith.constant 0 : i32
      %dma_start3A_97 = tpu.memref_slice %arg5[%add3A_90, %dma_start3A_96] : memref<104x128xi32, #tpu.memory_space<vmem>> -> memref<1x128xi32, #tpu.memory_space<vmem>>
      %dma_start3A_98 = tpu.memref_squeeze %dma_start3A_97 : memref<1x128xi32, #tpu.memory_space<vmem>> -> memref<128xi32, #tpu.memory_space<vmem>>
      %dma_start3A_99 = arith.constant 0 : i32
      %dma_start3A_100 = arith.constant 0 : i32
      %dma_start3A_101 = tpu.memref_slice %arg3[%dma_start3A_99, %dma_start3A_100] : memref<2609152x32xf32, #tpu.memory_space<hbm>> -> memref<2609152x32xf32, #tpu.memory_space<hbm>>
      tpu.enqueue_indirect_dma source(%dma_start3A_101 : memref<2609152x32xf32, #tpu.memory_space<hbm>>) target(%dma_start3A_95 : memref<128x32xf32, #tpu.memory_space<vmem>>) offsets(%dma_start3A_98 : memref<128xi32, #tpu.memory_space<vmem>>) semaphore(%arg7 : memref<!tpu.dma_semaphore, #tpu.memory_space<semaphore_mem>>)
      %mul3A_102 = arith.constant 13 : i32
      %mul3A_103 = arith.muli %add3A_12, %mul3A_102 : i32
      %add3A_104 = arith.constant 6 : i32
      %add3A_105 = arith.addi %mul3A_103, %add3A_104 : i32
      %dma_start3A_106 = arith.constant 0 : i32
      %dma_start3A_107 = arith.constant 768 : i32
      %dma_start3A_108 = arith.constant 0 : i32
      %dma_start3A_109 = tpu.memref_slice %arg6[%dma_start3A_106, %dma_start3A_107, %dma_start3A_108] : memref<2x1664x32xf32, #tpu.memory_space<vmem>> -> memref<1x128x32xf32, #tpu.memory_space<vmem>>
      %dma_start3A_110 = tpu.memref_squeeze %dma_start3A_109 : memref<1x128x32xf32, #tpu.memory_space<vmem>> -> memref<128x32xf32, #tpu.memory_space<vmem>>
      %dma_start3A_111 = arith.constant 0 : i32
      %dma_start3A_112 = tpu.memref_slice %arg5[%add3A_105, %dma_start3A_111] : memref<104x128xi32, #tpu.memory_space<vmem>> -> memref<1x128xi32, #tpu.memory_space<vmem>>
      %dma_start3A_113 = tpu.memref_squeeze %dma_start3A_112 : memref<1x128xi32, #tpu.memory_space<vmem>> -> memref<128xi32, #tpu.memory_space<vmem>>
      %dma_start3A_114 = arith.constant 0 : i32
      %dma_start3A_115 = arith.constant 0 : i32
      %dma_start3A_116 = tpu.memref_slice %arg3[%dma_start3A_114, %dma_start3A_115] : memref<2609152x32xf32, #tpu.memory_space<hbm>> -> memref<2609152x32xf32, #tpu.memory_space<hbm>>
      tpu.enqueue_indirect_dma source(%dma_start3A_116 : memref<2609152x32xf32, #tpu.memory_space<hbm>>) target(%dma_start3A_110 : memref<128x32xf32, #tpu.memory_space<vmem>>) offsets(%dma_start3A_113 : memref<128xi32, #tpu.memory_space<vmem>>) semaphore(%arg7 : memref<!tpu.dma_semaphore, #tpu.memory_space<semaphore_mem>>)
      %mul3A_117 = arith.constant 13 : i32
      %mul3A_118 = arith.muli %add3A_12, %mul3A_117 : i32
      %add3A_119 = arith.constant 7 : i32
      %add3A_120 = arith.addi %mul3A_118, %add3A_119 : i32
      %dma_start3A_121 = arith.constant 0 : i32
      %dma_start3A_122 = arith.constant 896 : i32
      %dma_start3A_123 = arith.constant 0 : i32
      %dma_start3A_124 = tpu.memref_slice %arg6[%dma_start3A_121, %dma_start3A_122, %dma_start3A_123] : memref<2x1664x32xf32, #tpu.memory_space<vmem>> -> memref<1x128x32xf32, #tpu.memory_space<vmem>>
      %dma_start3A_125 = tpu.memref_squeeze %dma_start3A_124 : memref<1x128x32xf32, #tpu.memory_space<vmem>> -> memref<128x32xf32, #tpu.memory_space<vmem>>
      %dma_start3A_126 = arith.constant 0 : i32
      %dma_start3A_127 = tpu.memref_slice %arg5[%add3A_120, %dma_start3A_126] : memref<104x128xi32, #tpu.memory_space<vmem>> -> memref<1x128xi32, #tpu.memory_space<vmem>>
      %dma_start3A_128 = tpu.memref_squeeze %dma_start3A_127 : memref<1x128xi32, #tpu.memory_space<vmem>> -> memref<128xi32, #tpu.memory_space<vmem>>
      %dma_start3A_129 = arith.constant 0 : i32
      %dma_start3A_130 = arith.constant 0 : i32
      %dma_start3A_131 = tpu.memref_slice %arg3[%dma_start3A_129, %dma_start3A_130] : memref<2609152x32xf32, #tpu.memory_space<hbm>> -> memref<2609152x32xf32, #tpu.memory_space<hbm>>
      tpu.enqueue_indirect_dma source(%dma_start3A_131 : memref<2609152x32xf32, #tpu.memory_space<hbm>>) target(%dma_start3A_125 : memref<128x32xf32, #tpu.memory_space<vmem>>) offsets(%dma_start3A_128 : memref<128xi32, #tpu.memory_space<vmem>>) semaphore(%arg7 : memref<!tpu.dma_semaphore, #tpu.memory_space<semaphore_mem>>)
      %mul3A_132 = arith.constant 13 : i32
      %mul3A_133 = arith.muli %add3A_12, %mul3A_132 : i32
      %add3A_134 = arith.constant 8 : i32
      %add3A_135 = arith.addi %mul3A_133, %add3A_134 : i32
      %dma_start3A_136 = arith.constant 0 : i32
      %dma_start3A_137 = arith.constant 1024 : i32
      %dma_start3A_138 = arith.constant 0 : i32
      %dma_start3A_139 = tpu.memref_slice %arg6[%dma_start3A_136, %dma_start3A_137, %dma_start3A_138] : memref<2x1664x32xf32, #tpu.memory_space<vmem>> -> memref<1x128x32xf32, #tpu.memory_space<vmem>>
      %dma_start3A_140 = tpu.memref_squeeze %dma_start3A_139 : memref<1x128x32xf32, #tpu.memory_space<vmem>> -> memref<128x32xf32, #tpu.memory_space<vmem>>
      %dma_start3A_141 = arith.constant 0 : i32
      %dma_start3A_142 = tpu.memref_slice %arg5[%add3A_135, %dma_start3A_141] : memref<104x128xi32, #tpu.memory_space<vmem>> -> memref<1x128xi32, #tpu.memory_space<vmem>>
      %dma_start3A_143 = tpu.memref_squeeze %dma_start3A_142 : memref<1x128xi32, #tpu.memory_space<vmem>> -> memref<128xi32, #tpu.memory_space<vmem>>
      %dma_start3A_144 = arith.constant 0 : i32
      %dma_start3A_145 = arith.constant 0 : i32
      %dma_start3A_146 = tpu.memref_slice %arg3[%dma_start3A_144, %dma_start3A_145] : memref<2609152x32xf32, #tpu.memory_space<hbm>> -> memref<2609152x32xf32, #tpu.memory_space<hbm>>
      tpu.enqueue_indirect_dma source(%dma_start3A_146 : memref<2609152x32xf32, #tpu.memory_space<hbm>>) target(%dma_start3A_140 : memref<128x32xf32, #tpu.memory_space<vmem>>) offsets(%dma_start3A_143 : memref<128xi32, #tpu.memory_space<vmem>>) semaphore(%arg7 : memref<!tpu.dma_semaphore, #tpu.memory_space<semaphore_mem>>)
      %mul3A_147 = arith.constant 13 : i32
      %mul3A_148 = arith.muli %add3A_12, %mul3A_147 : i32
      %add3A_149 = arith.constant 9 : i32
      %add3A_150 = arith.addi %mul3A_148, %add3A_149 : i32
      %dma_start3A_151 = arith.constant 0 : i32
      %dma_start3A_152 = arith.constant 1152 : i32
      %dma_start3A_153 = arith.constant 0 : i32
      %dma_start3A_154 = tpu.memref_slice %arg6[%dma_start3A_151, %dma_start3A_152, %dma_start3A_153] : memref<2x1664x32xf32, #tpu.memory_space<vmem>> -> memref<1x128x32xf32, #tpu.memory_space<vmem>>
      %dma_start3A_155 = tpu.memref_squeeze %dma_start3A_154 : memref<1x128x32xf32, #tpu.memory_space<vmem>> -> memref<128x32xf32, #tpu.memory_space<vmem>>
      %dma_start3A_156 = arith.constant 0 : i32
      %dma_start3A_157 = tpu.memref_slice %arg5[%add3A_150, %dma_start3A_156] : memref<104x128xi32, #tpu.memory_space<vmem>> -> memref<1x128xi32, #tpu.memory_space<vmem>>
      %dma_start3A_158 = tpu.memref_squeeze %dma_start3A_157 : memref<1x128xi32, #tpu.memory_space<vmem>> -> memref<128xi32, #tpu.memory_space<vmem>>
      %dma_start3A_159 = arith.constant 0 : i32
      %dma_start3A_160 = arith.constant 0 : i32
      %dma_start3A_161 = tpu.memref_slice %arg3[%dma_start3A_159, %dma_start3A_160] : memref<2609152x32xf32, #tpu.memory_space<hbm>> -> memref<2609152x32xf32, #tpu.memory_space<hbm>>
      tpu.enqueue_indirect_dma source(%dma_start3A_161 : memref<2609152x32xf32, #tpu.memory_space<hbm>>) target(%dma_start3A_155 : memref<128x32xf32, #tpu.memory_space<vmem>>) offsets(%dma_start3A_158 : memref<128xi32, #tpu.memory_space<vmem>>) semaphore(%arg7 : memref<!tpu.dma_semaphore, #tpu.memory_space<semaphore_mem>>)
      %mul3A_162 = arith.constant 13 : i32
      %mul3A_163 = arith.muli %add3A_12, %mul3A_162 : i32
      %add3A_164 = arith.constant 10 : i32
      %add3A_165 = arith.addi %mul3A_163, %add3A_164 : i32
      %dma_start3A_166 = arith.constant 0 : i32
      %dma_start3A_167 = arith.constant 1280 : i32
      %dma_start3A_168 = arith.constant 0 : i32
      %dma_start3A_169 = tpu.memref_slice %arg6[%dma_start3A_166, %dma_start3A_167, %dma_start3A_168] : memref<2x1664x32xf32, #tpu.memory_space<vmem>> -> memref<1x128x32xf32, #tpu.memory_space<vmem>>
      %dma_start3A_170 = tpu.memref_squeeze %dma_start3A_169 : memref<1x128x32xf32, #tpu.memory_space<vmem>> -> memref<128x32xf32, #tpu.memory_space<vmem>>
      %dma_start3A_171 = arith.constant 0 : i32
      %dma_start3A_172 = tpu.memref_slice %arg5[%add3A_165, %dma_start3A_171] : memref<104x128xi32, #tpu.memory_space<vmem>> -> memref<1x128xi32, #tpu.memory_space<vmem>>
      %dma_start3A_173 = tpu.memref_squeeze %dma_start3A_172 : memref<1x128xi32, #tpu.memory_space<vmem>> -> memref<128xi32, #tpu.memory_space<vmem>>
      %dma_start3A_174 = arith.constant 0 : i32
      %dma_start3A_175 = arith.constant 0 : i32
      %dma_start3A_176 = tpu.memref_slice %arg3[%dma_start3A_174, %dma_start3A_175] : memref<2609152x32xf32, #tpu.memory_space<hbm>> -> memref<2609152x32xf32, #tpu.memory_space<hbm>>
      tpu.enqueue_indirect_dma source(%dma_start3A_176 : memref<2609152x32xf32, #tpu.memory_space<hbm>>) target(%dma_start3A_170 : memref<128x32xf32, #tpu.memory_space<vmem>>) offsets(%dma_start3A_173 : memref<128xi32, #tpu.memory_space<vmem>>) semaphore(%arg7 : memref<!tpu.dma_semaphore, #tpu.memory_space<semaphore_mem>>)
      %mul3A_177 = arith.constant 13 : i32
      %mul3A_178 = arith.muli %add3A_12, %mul3A_177 : i32
      %add3A_179 = arith.constant 11 : i32
      %add3A_180 = arith.addi %mul3A_178, %add3A_179 : i32
      %dma_start3A_181 = arith.constant 0 : i32
      %dma_start3A_182 = arith.constant 1408 : i32
      %dma_start3A_183 = arith.constant 0 : i32
      %dma_start3A_184 = tpu.memref_slice %arg6[%dma_start3A_181, %dma_start3A_182, %dma_start3A_183] : memref<2x1664x32xf32, #tpu.memory_space<vmem>> -> memref<1x128x32xf32, #tpu.memory_space<vmem>>
      %dma_start3A_185 = tpu.memref_squeeze %dma_start3A_184 : memref<1x128x32xf32, #tpu.memory_space<vmem>> -> memref<128x32xf32, #tpu.memory_space<vmem>>
      %dma_start3A_186 = arith.constant 0 : i32
      %dma_start3A_187 = tpu.memref_slice %arg5[%add3A_180, %dma_start3A_186] : memref<104x128xi32, #tpu.memory_space<vmem>> -> memref<1x128xi32, #tpu.memory_space<vmem>>
      %dma_start3A_188 = tpu.memref_squeeze %dma_start3A_187 : memref<1x128xi32, #tpu.memory_space<vmem>> -> memref<128xi32, #tpu.memory_space<vmem>>
      %dma_start3A_189 = arith.constant 0 : i32
      %dma_start3A_190 = arith.constant 0 : i32
      %dma_start3A_191 = tpu.memref_slice %arg3[%dma_start3A_189, %dma_start3A_190] : memref<2609152x32xf32, #tpu.memory_space<hbm>> -> memref<2609152x32xf32, #tpu.memory_space<hbm>>
      tpu.enqueue_indirect_dma source(%dma_start3A_191 : memref<2609152x32xf32, #tpu.memory_space<hbm>>) target(%dma_start3A_185 : memref<128x32xf32, #tpu.memory_space<vmem>>) offsets(%dma_start3A_188 : memref<128xi32, #tpu.memory_space<vmem>>) semaphore(%arg7 : memref<!tpu.dma_semaphore, #tpu.memory_space<semaphore_mem>>)
      %mul3A_192 = arith.constant 13 : i32
      %mul3A_193 = arith.muli %add3A_12, %mul3A_192 : i32
      %add3A_194 = arith.constant 12 : i32
      %add3A_195 = arith.addi %mul3A_193, %add3A_194 : i32
      %dma_start3A_196 = arith.constant 0 : i32
      %dma_start3A_197 = arith.constant 1536 : i32
      %dma_start3A_198 = arith.constant 0 : i32
      %dma_start3A_199 = tpu.memref_slice %arg6[%dma_start3A_196, %dma_start3A_197, %dma_start3A_198] : memref<2x1664x32xf32, #tpu.memory_space<vmem>> -> memref<1x128x32xf32, #tpu.memory_space<vmem>>
      %dma_start3A_200 = tpu.memref_squeeze %dma_start3A_199 : memref<1x128x32xf32, #tpu.memory_space<vmem>> -> memref<128x32xf32, #tpu.memory_space<vmem>>
      %dma_start3A_201 = arith.constant 0 : i32
      %dma_start3A_202 = tpu.memref_slice %arg5[%add3A_195, %dma_start3A_201] : memref<104x128xi32, #tpu.memory_space<vmem>> -> memref<1x128xi32, #tpu.memory_space<vmem>>
      %dma_start3A_203 = tpu.memref_squeeze %dma_start3A_202 : memref<1x128xi32, #tpu.memory_space<vmem>> -> memref<128xi32, #tpu.memory_space<vmem>>
      %dma_start3A_204 = arith.constant 0 : i32
      %dma_start3A_205 = arith.constant 0 : i32
      %dma_start3A_206 = tpu.memref_slice %arg3[%dma_start3A_204, %dma_start3A_205] : memref<2609152x32xf32, #tpu.memory_space<hbm>> -> memref<2609152x32xf32, #tpu.memory_space<hbm>>
      tpu.enqueue_indirect_dma source(%dma_start3A_206 : memref<2609152x32xf32, #tpu.memory_space<hbm>>) target(%dma_start3A_200 : memref<128x32xf32, #tpu.memory_space<vmem>>) offsets(%dma_start3A_203 : memref<128xi32, #tpu.memory_space<vmem>>) semaphore(%arg7 : memref<!tpu.dma_semaphore, #tpu.memory_space<semaphore_mem>>)
      %mul3A_207 = arith.constant 2 : i32
      %mul3A_208 = arith.muli %scan3A_8, %mul3A_207 : i32
      %add3A_209 = arith.constant 1 : i32
      %add3A_210 = arith.addi %mul3A_208, %add3A_209 : i32
      %mul3A_211 = arith.constant 13 : i32
      %mul3A_212 = arith.muli %add3A_210, %mul3A_211 : i32
      %add3A_213 = arith.constant 0 : i32
      %add3A_214 = arith.addi %mul3A_212, %add3A_213 : i32
      %dma_start3A_215 = arith.constant 1 : i32
      %dma_start3A_216 = arith.constant 0 : i32
      %dma_start3A_217 = arith.constant 0 : i32
      %dma_start3A_218 = tpu.memref_slice %arg6[%dma_start3A_215, %dma_start3A_216, %dma_start3A_217] : memref<2x1664x32xf32, #tpu.memory_space<vmem>> -> memref<1x128x32xf32, #tpu.memory_space<vmem>>
      %dma_start3A_219 = tpu.memref_squeeze %dma_start3A_218 : memref<1x128x32xf32, #tpu.memory_space<vmem>> -> memref<128x32xf32, #tpu.memory_space<vmem>>
      %dma_start3A_220 = arith.constant 0 : i32
      %dma_start3A_221 = tpu.memref_slice %arg5[%add3A_214, %dma_start3A_220] : memref<104x128xi32, #tpu.memory_space<vmem>> -> memref<1x128xi32, #tpu.memory_space<vmem>>
      %dma_start3A_222 = tpu.memref_squeeze %dma_start3A_221 : memref<1x128xi32, #tpu.memory_space<vmem>> -> memref<128xi32, #tpu.memory_space<vmem>>
      %dma_start3A_223 = arith.constant 0 : i32
      %dma_start3A_224 = arith.constant 0 : i32
      %dma_start3A_225 = tpu.memref_slice %arg3[%dma_start3A_223, %dma_start3A_224] : memref<2609152x32xf32, #tpu.memory_space<hbm>> -> memref<2609152x32xf32, #tpu.memory_space<hbm>>
      tpu.enqueue_indirect_dma source(%dma_start3A_225 : memref<2609152x32xf32, #tpu.memory_space<hbm>>) target(%dma_start3A_219 : memref<128x32xf32, #tpu.memory_space<vmem>>) offsets(%dma_start3A_222 : memref<128xi32, #tpu.memory_space<vmem>>) semaphore(%arg8 : memref<!tpu.dma_semaphore, #tpu.memory_space<semaphore_mem>>)
      %mul3A_226 = arith.constant 13 : i32
      %mul3A_227 = arith.muli %add3A_210, %mul3A_226 : i32
      %add3A_228 = arith.constant 1 : i32
      %add3A_229 = arith.addi %mul3A_227, %add3A_228 : i32
      %dma_start3A_230 = arith.constant 1 : i32
      %dma_start3A_231 = arith.constant 128 : i32
      %dma_start3A_232 = arith.constant 0 : i32
      %dma_start3A_233 = tpu.memref_slice %arg6[%dma_start3A_230, %dma_start3A_231, %dma_start3A_232] : memref<2x1664x32xf32, #tpu.memory_space<vmem>> -> memref<1x128x32xf32, #tpu.memory_space<vmem>>
      %dma_start3A_234 = tpu.memref_squeeze %dma_start3A_233 : memref<1x128x32xf32, #tpu.memory_space<vmem>> -> memref<128x32xf32, #tpu.memory_space<vmem>>
      %dma_start3A_235 = arith.constant 0 : i32
      %dma_start3A_236 = tpu.memref_slice %arg5[%add3A_229, %dma_start3A_235] : memref<104x128xi32, #tpu.memory_space<vmem>> -> memref<1x128xi32, #tpu.memory_space<vmem>>
      %dma_start3A_237 = tpu.memref_squeeze %dma_start3A_236 : memref<1x128xi32, #tpu.memory_space<vmem>> -> memref<128xi32, #tpu.memory_space<vmem>>
      %dma_start3A_238 = arith.constant 0 : i32
      %dma_start3A_239 = arith.constant 0 : i32
      %dma_start3A_240 = tpu.memref_slice %arg3[%dma_start3A_238, %dma_start3A_239] : memref<2609152x32xf32, #tpu.memory_space<hbm>> -> memref<2609152x32xf32, #tpu.memory_space<hbm>>
      tpu.enqueue_indirect_dma source(%dma_start3A_240 : memref<2609152x32xf32, #tpu.memory_space<hbm>>) target(%dma_start3A_234 : memref<128x32xf32, #tpu.memory_space<vmem>>) offsets(%dma_start3A_237 : memref<128xi32, #tpu.memory_space<vmem>>) semaphore(%arg8 : memref<!tpu.dma_semaphore, #tpu.memory_space<semaphore_mem>>)
      %mul3A_241 = arith.constant 13 : i32
      %mul3A_242 = arith.muli %add3A_210, %mul3A_241 : i32
      %add3A_243 = arith.constant 2 : i32
      %add3A_244 = arith.addi %mul3A_242, %add3A_243 : i32
      %dma_start3A_245 = arith.constant 1 : i32
      %dma_start3A_246 = arith.constant 256 : i32
      %dma_start3A_247 = arith.constant 0 : i32
      %dma_start3A_248 = tpu.memref_slice %arg6[%dma_start3A_245, %dma_start3A_246, %dma_start3A_247] : memref<2x1664x32xf32, #tpu.memory_space<vmem>> -> memref<1x128x32xf32, #tpu.memory_space<vmem>>
      %dma_start3A_249 = tpu.memref_squeeze %dma_start3A_248 : memref<1x128x32xf32, #tpu.memory_space<vmem>> -> memref<128x32xf32, #tpu.memory_space<vmem>>
      %dma_start3A_250 = arith.constant 0 : i32
      %dma_start3A_251 = tpu.memref_slice %arg5[%add3A_244, %dma_start3A_250] : memref<104x128xi32, #tpu.memory_space<vmem>> -> memref<1x128xi32, #tpu.memory_space<vmem>>
      %dma_start3A_252 = tpu.memref_squeeze %dma_start3A_251 : memref<1x128xi32, #tpu.memory_space<vmem>> -> memref<128xi32, #tpu.memory_space<vmem>>
      %dma_start3A_253 = arith.constant 0 : i32
      %dma_start3A_254 = arith.constant 0 : i32
      %dma_start3A_255 = tpu.memref_slice %arg3[%dma_start3A_253, %dma_start3A_254] : memref<2609152x32xf32, #tpu.memory_space<hbm>> -> memref<2609152x32xf32, #tpu.memory_space<hbm>>
      tpu.enqueue_indirect_dma source(%dma_start3A_255 : memref<2609152x32xf32, #tpu.memory_space<hbm>>) target(%dma_start3A_249 : memref<128x32xf32, #tpu.memory_space<vmem>>) offsets(%dma_start3A_252 : memref<128xi32, #tpu.memory_space<vmem>>) semaphore(%arg8 : memref<!tpu.dma_semaphore, #tpu.memory_space<semaphore_mem>>)
      %mul3A_256 = arith.constant 13 : i32
      %mul3A_257 = arith.muli %add3A_210, %mul3A_256 : i32
      %add3A_258 = arith.constant 3 : i32
      %add3A_259 = arith.addi %mul3A_257, %add3A_258 : i32
      %dma_start3A_260 = arith.constant 1 : i32
      %dma_start3A_261 = arith.constant 384 : i32
      %dma_start3A_262 = arith.constant 0 : i32
      %dma_start3A_263 = tpu.memref_slice %arg6[%dma_start3A_260, %dma_start3A_261, %dma_start3A_262] : memref<2x1664x32xf32, #tpu.memory_space<vmem>> -> memref<1x128x32xf32, #tpu.memory_space<vmem>>
      %dma_start3A_264 = tpu.memref_squeeze %dma_start3A_263 : memref<1x128x32xf32, #tpu.memory_space<vmem>> -> memref<128x32xf32, #tpu.memory_space<vmem>>
      %dma_start3A_265 = arith.constant 0 : i32
      %dma_start3A_266 = tpu.memref_slice %arg5[%add3A_259, %dma_start3A_265] : memref<104x128xi32, #tpu.memory_space<vmem>> -> memref<1x128xi32, #tpu.memory_space<vmem>>
      %dma_start3A_267 = tpu.memref_squeeze %dma_start3A_266 : memref<1x128xi32, #tpu.memory_space<vmem>> -> memref<128xi32, #tpu.memory_space<vmem>>
      %dma_start3A_268 = arith.constant 0 : i32
      %dma_start3A_269 = arith.constant 0 : i32
      %dma_start3A_270 = tpu.memref_slice %arg3[%dma_start3A_268, %dma_start3A_269] : memref<2609152x32xf32, #tpu.memory_space<hbm>> -> memref<2609152x32xf32, #tpu.memory_space<hbm>>
      tpu.enqueue_indirect_dma source(%dma_start3A_270 : memref<2609152x32xf32, #tpu.memory_space<hbm>>) target(%dma_start3A_264 : memref<128x32xf32, #tpu.memory_space<vmem>>) offsets(%dma_start3A_267 : memref<128xi32, #tpu.memory_space<vmem>>) semaphore(%arg8 : memref<!tpu.dma_semaphore, #tpu.memory_space<semaphore_mem>>)
      %mul3A_271 = arith.constant 13 : i32
      %mul3A_272 = arith.muli %add3A_210, %mul3A_271 : i32
      %add3A_273 = arith.constant 4 : i32
      %add3A_274 = arith.addi %mul3A_272, %add3A_273 : i32
      %dma_start3A_275 = arith.constant 1 : i32
      %dma_start3A_276 = arith.constant 512 : i32
      %dma_start3A_277 = arith.constant 0 : i32
      %dma_start3A_278 = tpu.memref_slice %arg6[%dma_start3A_275, %dma_start3A_276, %dma_start3A_277] : memref<2x1664x32xf32, #tpu.memory_space<vmem>> -> memref<1x128x32xf32, #tpu.memory_space<vmem>>
      %dma_start3A_279 = tpu.memref_squeeze %dma_start3A_278 : memref<1x128x32xf32, #tpu.memory_space<vmem>> -> memref<128x32xf32, #tpu.memory_space<vmem>>
      %dma_start3A_280 = arith.constant 0 : i32
      %dma_start3A_281 = tpu.memref_slice %arg5[%add3A_274, %dma_start3A_280] : memref<104x128xi32, #tpu.memory_space<vmem>> -> memref<1x128xi32, #tpu.memory_space<vmem>>
      %dma_start3A_282 = tpu.memref_squeeze %dma_start3A_281 : memref<1x128xi32, #tpu.memory_space<vmem>> -> memref<128xi32, #tpu.memory_space<vmem>>
      %dma_start3A_283 = arith.constant 0 : i32
      %dma_start3A_284 = arith.constant 0 : i32
      %dma_start3A_285 = tpu.memref_slice %arg3[%dma_start3A_283, %dma_start3A_284] : memref<2609152x32xf32, #tpu.memory_space<hbm>> -> memref<2609152x32xf32, #tpu.memory_space<hbm>>
      tpu.enqueue_indirect_dma source(%dma_start3A_285 : memref<2609152x32xf32, #tpu.memory_space<hbm>>) target(%dma_start3A_279 : memref<128x32xf32, #tpu.memory_space<vmem>>) offsets(%dma_start3A_282 : memref<128xi32, #tpu.memory_space<vmem>>) semaphore(%arg8 : memref<!tpu.dma_semaphore, #tpu.memory_space<semaphore_mem>>)
      %mul3A_286 = arith.constant 13 : i32
      %mul3A_287 = arith.muli %add3A_210, %mul3A_286 : i32
      %add3A_288 = arith.constant 5 : i32
      %add3A_289 = arith.addi %mul3A_287, %add3A_288 : i32
      %dma_start3A_290 = arith.constant 1 : i32
      %dma_start3A_291 = arith.constant 640 : i32
      %dma_start3A_292 = arith.constant 0 : i32
      %dma_start3A_293 = tpu.memref_slice %arg6[%dma_start3A_290, %dma_start3A_291, %dma_start3A_292] : memref<2x1664x32xf32, #tpu.memory_space<vmem>> -> memref<1x128x32xf32, #tpu.memory_space<vmem>>
      %dma_start3A_294 = tpu.memref_squeeze %dma_start3A_293 : memref<1x128x32xf32, #tpu.memory_space<vmem>> -> memref<128x32xf32, #tpu.memory_space<vmem>>
      %dma_start3A_295 = arith.constant 0 : i32
      %dma_start3A_296 = tpu.memref_slice %arg5[%add3A_289, %dma_start3A_295] : memref<104x128xi32, #tpu.memory_space<vmem>> -> memref<1x128xi32, #tpu.memory_space<vmem>>
      %dma_start3A_297 = tpu.memref_squeeze %dma_start3A_296 : memref<1x128xi32, #tpu.memory_space<vmem>> -> memref<128xi32, #tpu.memory_space<vmem>>
      %dma_start3A_298 = arith.constant 0 : i32
      %dma_start3A_299 = arith.constant 0 : i32
      %dma_start3A_300 = tpu.memref_slice %arg3[%dma_start3A_298, %dma_start3A_299] : memref<2609152x32xf32, #tpu.memory_space<hbm>> -> memref<2609152x32xf32, #tpu.memory_space<hbm>>
      tpu.enqueue_indirect_dma source(%dma_start3A_300 : memref<2609152x32xf32, #tpu.memory_space<hbm>>) target(%dma_start3A_294 : memref<128x32xf32, #tpu.memory_space<vmem>>) offsets(%dma_start3A_297 : memref<128xi32, #tpu.memory_space<vmem>>) semaphore(%arg8 : memref<!tpu.dma_semaphore, #tpu.memory_space<semaphore_mem>>)
      %mul3A_301 = arith.constant 13 : i32
      %mul3A_302 = arith.muli %add3A_210, %mul3A_301 : i32
      %add3A_303 = arith.constant 6 : i32
      %add3A_304 = arith.addi %mul3A_302, %add3A_303 : i32
      %dma_start3A_305 = arith.constant 1 : i32
      %dma_start3A_306 = arith.constant 768 : i32
      %dma_start3A_307 = arith.constant 0 : i32
      %dma_start3A_308 = tpu.memref_slice %arg6[%dma_start3A_305, %dma_start3A_306, %dma_start3A_307] : memref<2x1664x32xf32, #tpu.memory_space<vmem>> -> memref<1x128x32xf32, #tpu.memory_space<vmem>>
      %dma_start3A_309 = tpu.memref_squeeze %dma_start3A_308 : memref<1x128x32xf32, #tpu.memory_space<vmem>> -> memref<128x32xf32, #tpu.memory_space<vmem>>
      %dma_start3A_310 = arith.constant 0 : i32
      %dma_start3A_311 = tpu.memref_slice %arg5[%add3A_304, %dma_start3A_310] : memref<104x128xi32, #tpu.memory_space<vmem>> -> memref<1x128xi32, #tpu.memory_space<vmem>>
      %dma_start3A_312 = tpu.memref_squeeze %dma_start3A_311 : memref<1x128xi32, #tpu.memory_space<vmem>> -> memref<128xi32, #tpu.memory_space<vmem>>
      %dma_start3A_313 = arith.constant 0 : i32
      %dma_start3A_314 = arith.constant 0 : i32
      %dma_start3A_315 = tpu.memref_slice %arg3[%dma_start3A_313, %dma_start3A_314] : memref<2609152x32xf32, #tpu.memory_space<hbm>> -> memref<2609152x32xf32, #tpu.memory_space<hbm>>
      tpu.enqueue_indirect_dma source(%dma_start3A_315 : memref<2609152x32xf32, #tpu.memory_space<hbm>>) target(%dma_start3A_309 : memref<128x32xf32, #tpu.memory_space<vmem>>) offsets(%dma_start3A_312 : memref<128xi32, #tpu.memory_space<vmem>>) semaphore(%arg8 : memref<!tpu.dma_semaphore, #tpu.memory_space<semaphore_mem>>)
      %mul3A_316 = arith.constant 13 : i32
      %mul3A_317 = arith.muli %add3A_210, %mul3A_316 : i32
      %add3A_318 = arith.constant 7 : i32
      %add3A_319 = arith.addi %mul3A_317, %add3A_318 : i32
      %dma_start3A_320 = arith.constant 1 : i32
      %dma_start3A_321 = arith.constant 896 : i32
      %dma_start3A_322 = arith.constant 0 : i32
      %dma_start3A_323 = tpu.memref_slice %arg6[%dma_start3A_320, %dma_start3A_321, %dma_start3A_322] : memref<2x1664x32xf32, #tpu.memory_space<vmem>> -> memref<1x128x32xf32, #tpu.memory_space<vmem>>
      %dma_start3A_324 = tpu.memref_squeeze %dma_start3A_323 : memref<1x128x32xf32, #tpu.memory_space<vmem>> -> memref<128x32xf32, #tpu.memory_space<vmem>>
      %dma_start3A_325 = arith.constant 0 : i32
      %dma_start3A_326 = tpu.memref_slice %arg5[%add3A_319, %dma_start3A_325] : memref<104x128xi32, #tpu.memory_space<vmem>> -> memref<1x128xi32, #tpu.memory_space<vmem>>
      %dma_start3A_327 = tpu.memref_squeeze %dma_start3A_326 : memref<1x128xi32, #tpu.memory_space<vmem>> -> memref<128xi32, #tpu.memory_space<vmem>>
      %dma_start3A_328 = arith.constant 0 : i32
      %dma_start3A_329 = arith.constant 0 : i32
      %dma_start3A_330 = tpu.memref_slice %arg3[%dma_start3A_328, %dma_start3A_329] : memref<2609152x32xf32, #tpu.memory_space<hbm>> -> memref<2609152x32xf32, #tpu.memory_space<hbm>>
      tpu.enqueue_indirect_dma source(%dma_start3A_330 : memref<2609152x32xf32, #tpu.memory_space<hbm>>) target(%dma_start3A_324 : memref<128x32xf32, #tpu.memory_space<vmem>>) offsets(%dma_start3A_327 : memref<128xi32, #tpu.memory_space<vmem>>) semaphore(%arg8 : memref<!tpu.dma_semaphore, #tpu.memory_space<semaphore_mem>>)
      %mul3A_331 = arith.constant 13 : i32
      %mul3A_332 = arith.muli %add3A_210, %mul3A_331 : i32
      %add3A_333 = arith.constant 8 : i32
      %add3A_334 = arith.addi %mul3A_332, %add3A_333 : i32
      %dma_start3A_335 = arith.constant 1 : i32
      %dma_start3A_336 = arith.constant 1024 : i32
      %dma_start3A_337 = arith.constant 0 : i32
      %dma_start3A_338 = tpu.memref_slice %arg6[%dma_start3A_335, %dma_start3A_336, %dma_start3A_337] : memref<2x1664x32xf32, #tpu.memory_space<vmem>> -> memref<1x128x32xf32, #tpu.memory_space<vmem>>
      %dma_start3A_339 = tpu.memref_squeeze %dma_start3A_338 : memref<1x128x32xf32, #tpu.memory_space<vmem>> -> memref<128x32xf32, #tpu.memory_space<vmem>>
      %dma_start3A_340 = arith.constant 0 : i32
      %dma_start3A_341 = tpu.memref_slice %arg5[%add3A_334, %dma_start3A_340] : memref<104x128xi32, #tpu.memory_space<vmem>> -> memref<1x128xi32, #tpu.memory_space<vmem>>
      %dma_start3A_342 = tpu.memref_squeeze %dma_start3A_341 : memref<1x128xi32, #tpu.memory_space<vmem>> -> memref<128xi32, #tpu.memory_space<vmem>>
      %dma_start3A_343 = arith.constant 0 : i32
      %dma_start3A_344 = arith.constant 0 : i32
      %dma_start3A_345 = tpu.memref_slice %arg3[%dma_start3A_343, %dma_start3A_344] : memref<2609152x32xf32, #tpu.memory_space<hbm>> -> memref<2609152x32xf32, #tpu.memory_space<hbm>>
      tpu.enqueue_indirect_dma source(%dma_start3A_345 : memref<2609152x32xf32, #tpu.memory_space<hbm>>) target(%dma_start3A_339 : memref<128x32xf32, #tpu.memory_space<vmem>>) offsets(%dma_start3A_342 : memref<128xi32, #tpu.memory_space<vmem>>) semaphore(%arg8 : memref<!tpu.dma_semaphore, #tpu.memory_space<semaphore_mem>>)
      %mul3A_346 = arith.constant 13 : i32
      %mul3A_347 = arith.muli %add3A_210, %mul3A_346 : i32
      %add3A_348 = arith.constant 9 : i32
      %add3A_349 = arith.addi %mul3A_347, %add3A_348 : i32
      %dma_start3A_350 = arith.constant 1 : i32
      %dma_start3A_351 = arith.constant 1152 : i32
      %dma_start3A_352 = arith.constant 0 : i32
      %dma_start3A_353 = tpu.memref_slice %arg6[%dma_start3A_350, %dma_start3A_351, %dma_start3A_352] : memref<2x1664x32xf32, #tpu.memory_space<vmem>> -> memref<1x128x32xf32, #tpu.memory_space<vmem>>
      %dma_start3A_354 = tpu.memref_squeeze %dma_start3A_353 : memref<1x128x32xf32, #tpu.memory_space<vmem>> -> memref<128x32xf32, #tpu.memory_space<vmem>>
      %dma_start3A_355 = arith.constant 0 : i32
      %dma_start3A_356 = tpu.memref_slice %arg5[%add3A_349, %dma_start3A_355] : memref<104x128xi32, #tpu.memory_space<vmem>> -> memref<1x128xi32, #tpu.memory_space<vmem>>
      %dma_start3A_357 = tpu.memref_squeeze %dma_start3A_356 : memref<1x128xi32, #tpu.memory_space<vmem>> -> memref<128xi32, #tpu.memory_space<vmem>>
      %dma_start3A_358 = arith.constant 0 : i32
      %dma_start3A_359 = arith.constant 0 : i32
      %dma_start3A_360 = tpu.memref_slice %arg3[%dma_start3A_358, %dma_start3A_359] : memref<2609152x32xf32, #tpu.memory_space<hbm>> -> memref<2609152x32xf32, #tpu.memory_space<hbm>>
      tpu.enqueue_indirect_dma source(%dma_start3A_360 : memref<2609152x32xf32, #tpu.memory_space<hbm>>) target(%dma_start3A_354 : memref<128x32xf32, #tpu.memory_space<vmem>>) offsets(%dma_start3A_357 : memref<128xi32, #tpu.memory_space<vmem>>) semaphore(%arg8 : memref<!tpu.dma_semaphore, #tpu.memory_space<semaphore_mem>>)
      %mul3A_361 = arith.constant 13 : i32
      %mul3A_362 = arith.muli %add3A_210, %mul3A_361 : i32
      %add3A_363 = arith.constant 10 : i32
      %add3A_364 = arith.addi %mul3A_362, %add3A_363 : i32
      %dma_start3A_365 = arith.constant 1 : i32
      %dma_start3A_366 = arith.constant 1280 : i32
      %dma_start3A_367 = arith.constant 0 : i32
      %dma_start3A_368 = tpu.memref_slice %arg6[%dma_start3A_365, %dma_start3A_366, %dma_start3A_367] : memref<2x1664x32xf32, #tpu.memory_space<vmem>> -> memref<1x128x32xf32, #tpu.memory_space<vmem>>
      %dma_start3A_369 = tpu.memref_squeeze %dma_start3A_368 : memref<1x128x32xf32, #tpu.memory_space<vmem>> -> memref<128x32xf32, #tpu.memory_space<vmem>>
      %dma_start3A_370 = arith.constant 0 : i32
      %dma_start3A_371 = tpu.memref_slice %arg5[%add3A_364, %dma_start3A_370] : memref<104x128xi32, #tpu.memory_space<vmem>> -> memref<1x128xi32, #tpu.memory_space<vmem>>
      %dma_start3A_372 = tpu.memref_squeeze %dma_start3A_371 : memref<1x128xi32, #tpu.memory_space<vmem>> -> memref<128xi32, #tpu.memory_space<vmem>>
      %dma_start3A_373 = arith.constant 0 : i32
      %dma_start3A_374 = arith.constant 0 : i32
      %dma_start3A_375 = tpu.memref_slice %arg3[%dma_start3A_373, %dma_start3A_374] : memref<2609152x32xf32, #tpu.memory_space<hbm>> -> memref<2609152x32xf32, #tpu.memory_space<hbm>>
      tpu.enqueue_indirect_dma source(%dma_start3A_375 : memref<2609152x32xf32, #tpu.memory_space<hbm>>) target(%dma_start3A_369 : memref<128x32xf32, #tpu.memory_space<vmem>>) offsets(%dma_start3A_372 : memref<128xi32, #tpu.memory_space<vmem>>) semaphore(%arg8 : memref<!tpu.dma_semaphore, #tpu.memory_space<semaphore_mem>>)
      %mul3A_376 = arith.constant 13 : i32
      %mul3A_377 = arith.muli %add3A_210, %mul3A_376 : i32
      %add3A_378 = arith.constant 11 : i32
      %add3A_379 = arith.addi %mul3A_377, %add3A_378 : i32
      %dma_start3A_380 = arith.constant 1 : i32
      %dma_start3A_381 = arith.constant 1408 : i32
      %dma_start3A_382 = arith.constant 0 : i32
      %dma_start3A_383 = tpu.memref_slice %arg6[%dma_start3A_380, %dma_start3A_381, %dma_start3A_382] : memref<2x1664x32xf32, #tpu.memory_space<vmem>> -> memref<1x128x32xf32, #tpu.memory_space<vmem>>
      %dma_start3A_384 = tpu.memref_squeeze %dma_start3A_383 : memref<1x128x32xf32, #tpu.memory_space<vmem>> -> memref<128x32xf32, #tpu.memory_space<vmem>>
      %dma_start3A_385 = arith.constant 0 : i32
      %dma_start3A_386 = tpu.memref_slice %arg5[%add3A_379, %dma_start3A_385] : memref<104x128xi32, #tpu.memory_space<vmem>> -> memref<1x128xi32, #tpu.memory_space<vmem>>
      %dma_start3A_387 = tpu.memref_squeeze %dma_start3A_386 : memref<1x128xi32, #tpu.memory_space<vmem>> -> memref<128xi32, #tpu.memory_space<vmem>>
      %dma_start3A_388 = arith.constant 0 : i32
      %dma_start3A_389 = arith.constant 0 : i32
      %dma_start3A_390 = tpu.memref_slice %arg3[%dma_start3A_388, %dma_start3A_389] : memref<2609152x32xf32, #tpu.memory_space<hbm>> -> memref<2609152x32xf32, #tpu.memory_space<hbm>>
      tpu.enqueue_indirect_dma source(%dma_start3A_390 : memref<2609152x32xf32, #tpu.memory_space<hbm>>) target(%dma_start3A_384 : memref<128x32xf32, #tpu.memory_space<vmem>>) offsets(%dma_start3A_387 : memref<128xi32, #tpu.memory_space<vmem>>) semaphore(%arg8 : memref<!tpu.dma_semaphore, #tpu.memory_space<semaphore_mem>>)
      %mul3A_391 = arith.constant 13 : i32
      %mul3A_392 = arith.muli %add3A_210, %mul3A_391 : i32
      %add3A_393 = arith.constant 12 : i32
      %add3A_394 = arith.addi %mul3A_392, %add3A_393 : i32
      %dma_start3A_395 = arith.constant 1 : i32
      %dma_start3A_396 = arith.constant 1536 : i32
      %dma_start3A_397 = arith.constant 0 : i32
      %dma_start3A_398 = tpu.memref_slice %arg6[%dma_start3A_395, %dma_start3A_396, %dma_start3A_397] : memref<2x1664x32xf32, #tpu.memory_space<vmem>> -> memref<1x128x32xf32, #tpu.memory_space<vmem>>
      %dma_start3A_399 = tpu.memref_squeeze %dma_start3A_398 : memref<1x128x32xf32, #tpu.memory_space<vmem>> -> memref<128x32xf32, #tpu.memory_space<vmem>>
      %dma_start3A_400 = arith.constant 0 : i32
      %dma_start3A_401 = tpu.memref_slice %arg5[%add3A_394, %dma_start3A_400] : memref<104x128xi32, #tpu.memory_space<vmem>> -> memref<1x128xi32, #tpu.memory_space<vmem>>
      %dma_start3A_402 = tpu.memref_squeeze %dma_start3A_401 : memref<1x128xi32, #tpu.memory_space<vmem>> -> memref<128xi32, #tpu.memory_space<vmem>>
      %dma_start3A_403 = arith.constant 0 : i32
      %dma_start3A_404 = arith.constant 0 : i32
      %dma_start3A_405 = tpu.memref_slice %arg3[%dma_start3A_403, %dma_start3A_404] : memref<2609152x32xf32, #tpu.memory_space<hbm>> -> memref<2609152x32xf32, #tpu.memory_space<hbm>>
      tpu.enqueue_indirect_dma source(%dma_start3A_405 : memref<2609152x32xf32, #tpu.memory_space<hbm>>) target(%dma_start3A_399 : memref<128x32xf32, #tpu.memory_space<vmem>>) offsets(%dma_start3A_402 : memref<128xi32, #tpu.memory_space<vmem>>) semaphore(%arg8 : memref<!tpu.dma_semaphore, #tpu.memory_space<semaphore_mem>>)
      %mul3A_406 = arith.constant 2 : i32
      %mul3A_407 = arith.muli %scan3A_8, %mul3A_406 : i32
      %add3A_408 = arith.constant 0 : i32
      %add3A_409 = arith.addi %mul3A_407, %add3A_408 : i32
      %dma_wait3A = arith.constant 0 : i32
      %dma_wait3A_410 = arith.constant 0 : i32
      %dma_wait3A_411 = arith.constant 0 : i32
      %dma_wait3A_412 = tpu.memref_slice %arg6[%dma_wait3A, %dma_wait3A_410, %dma_wait3A_411] : memref<2x1664x32xf32, #tpu.memory_space<vmem>> -> memref<1x128x32xf32, #tpu.memory_space<vmem>>
      %dma_wait3A_413 = tpu.memref_squeeze %dma_wait3A_412 : memref<1x128x32xf32, #tpu.memory_space<vmem>> -> memref<128x32xf32, #tpu.memory_space<vmem>>
      %dma_wait3A_414 = arith.constant 0 : i32
      %dma_wait3A_415 = tpu.memref_slice %arg5[%add3A_16, %dma_wait3A_414] : memref<104x128xi32, #tpu.memory_space<vmem>> -> memref<1x128xi32, #tpu.memory_space<vmem>>
      %dma_wait3A_416 = tpu.memref_squeeze %dma_wait3A_415 : memref<1x128xi32, #tpu.memory_space<vmem>> -> memref<128xi32, #tpu.memory_space<vmem>>
      %dma_wait3A_417 = arith.constant 0 : i32
      %dma_wait3A_418 = arith.constant 0 : i32
      %dma_wait3A_419 = tpu.memref_slice %arg3[%dma_wait3A_417, %dma_wait3A_418] : memref<2609152x32xf32, #tpu.memory_space<hbm>> -> memref<2609152x32xf32, #tpu.memory_space<hbm>>
      tpu.wait_indirect_dma semaphore(%arg7 : memref<!tpu.dma_semaphore, #tpu.memory_space<semaphore_mem>>) src(%dma_wait3A_419 : memref<2609152x32xf32, #tpu.memory_space<hbm>>) dst(%dma_wait3A_413 : memref<128x32xf32, #tpu.memory_space<vmem>>)
      %dma_wait3A_420 = arith.constant 0 : i32
      %dma_wait3A_421 = arith.constant 128 : i32
      %dma_wait3A_422 = arith.constant 0 : i32
      %dma_wait3A_423 = tpu.memref_slice %arg6[%dma_wait3A_420, %dma_wait3A_421, %dma_wait3A_422] : memref<2x1664x32xf32, #tpu.memory_space<vmem>> -> memref<1x128x32xf32, #tpu.memory_space<vmem>>
      %dma_wait3A_424 = tpu.memref_squeeze %dma_wait3A_423 : memref<1x128x32xf32, #tpu.memory_space<vmem>> -> memref<128x32xf32, #tpu.memory_space<vmem>>
      %dma_wait3A_425 = arith.constant 0 : i32
      %dma_wait3A_426 = tpu.memref_slice %arg5[%add3A_30, %dma_wait3A_425] : memref<104x128xi32, #tpu.memory_space<vmem>> -> memref<1x128xi32, #tpu.memory_space<vmem>>
      %dma_wait3A_427 = tpu.memref_squeeze %dma_wait3A_426 : memref<1x128xi32, #tpu.memory_space<vmem>> -> memref<128xi32, #tpu.memory_space<vmem>>
      %dma_wait3A_428 = arith.constant 0 : i32
      %dma_wait3A_429 = arith.constant 0 : i32
      %dma_wait3A_430 = tpu.memref_slice %arg3[%dma_wait3A_428, %dma_wait3A_429] : memref<2609152x32xf32, #tpu.memory_space<hbm>> -> memref<2609152x32xf32, #tpu.memory_space<hbm>>
      tpu.wait_indirect_dma semaphore(%arg7 : memref<!tpu.dma_semaphore, #tpu.memory_space<semaphore_mem>>) src(%dma_wait3A_430 : memref<2609152x32xf32, #tpu.memory_space<hbm>>) dst(%dma_wait3A_424 : memref<128x32xf32, #tpu.memory_space<vmem>>)
      %dma_wait3A_431 = arith.constant 0 : i32
      %dma_wait3A_432 = arith.constant 256 : i32
      %dma_wait3A_433 = arith.constant 0 : i32
      %dma_wait3A_434 = tpu.memref_slice %arg6[%dma_wait3A_431, %dma_wait3A_432, %dma_wait3A_433] : memref<2x1664x32xf32, #tpu.memory_space<vmem>> -> memref<1x128x32xf32, #tpu.memory_space<vmem>>
      %dma_wait3A_435 = tpu.memref_squeeze %dma_wait3A_434 : memref<1x128x32xf32, #tpu.memory_space<vmem>> -> memref<128x32xf32, #tpu.memory_space<vmem>>
      %dma_wait3A_436 = arith.constant 0 : i32
      %dma_wait3A_437 = tpu.memref_slice %arg5[%add3A_45, %dma_wait3A_436] : memref<104x128xi32, #tpu.memory_space<vmem>> -> memref<1x128xi32, #tpu.memory_space<vmem>>
      %dma_wait3A_438 = tpu.memref_squeeze %dma_wait3A_437 : memref<1x128xi32, #tpu.memory_space<vmem>> -> memref<128xi32, #tpu.memory_space<vmem>>
      %dma_wait3A_439 = arith.constant 0 : i32
      %dma_wait3A_440 = arith.constant 0 : i32
      %dma_wait3A_441 = tpu.memref_slice %arg3[%dma_wait3A_439, %dma_wait3A_440] : memref<2609152x32xf32, #tpu.memory_space<hbm>> -> memref<2609152x32xf32, #tpu.memory_space<hbm>>
      tpu.wait_indirect_dma semaphore(%arg7 : memref<!tpu.dma_semaphore, #tpu.memory_space<semaphore_mem>>) src(%dma_wait3A_441 : memref<2609152x32xf32, #tpu.memory_space<hbm>>) dst(%dma_wait3A_435 : memref<128x32xf32, #tpu.memory_space<vmem>>)
      %dma_wait3A_442 = arith.constant 0 : i32
      %dma_wait3A_443 = arith.constant 384 : i32
      %dma_wait3A_444 = arith.constant 0 : i32
      %dma_wait3A_445 = tpu.memref_slice %arg6[%dma_wait3A_442, %dma_wait3A_443, %dma_wait3A_444] : memref<2x1664x32xf32, #tpu.memory_space<vmem>> -> memref<1x128x32xf32, #tpu.memory_space<vmem>>
      %dma_wait3A_446 = tpu.memref_squeeze %dma_wait3A_445 : memref<1x128x32xf32, #tpu.memory_space<vmem>> -> memref<128x32xf32, #tpu.memory_space<vmem>>
      %dma_wait3A_447 = arith.constant 0 : i32
      %dma_wait3A_448 = tpu.memref_slice %arg5[%add3A_60, %dma_wait3A_447] : memref<104x128xi32, #tpu.memory_space<vmem>> -> memref<1x128xi32, #tpu.memory_space<vmem>>
      %dma_wait3A_449 = tpu.memref_squeeze %dma_wait3A_448 : memref<1x128xi32, #tpu.memory_space<vmem>> -> memref<128xi32, #tpu.memory_space<vmem>>
      %dma_wait3A_450 = arith.constant 0 : i32
      %dma_wait3A_451 = arith.constant 0 : i32
      %dma_wait3A_452 = tpu.memref_slice %arg3[%dma_wait3A_450, %dma_wait3A_451] : memref<2609152x32xf32, #tpu.memory_space<hbm>> -> memref<2609152x32xf32, #tpu.memory_space<hbm>>
      tpu.wait_indirect_dma semaphore(%arg7 : memref<!tpu.dma_semaphore, #tpu.memory_space<semaphore_mem>>) src(%dma_wait3A_452 : memref<2609152x32xf32, #tpu.memory_space<hbm>>) dst(%dma_wait3A_446 : memref<128x32xf32, #tpu.memory_space<vmem>>)
      %dma_wait3A_453 = arith.constant 0 : i32
      %dma_wait3A_454 = arith.constant 512 : i32
      %dma_wait3A_455 = arith.constant 0 : i32
      %dma_wait3A_456 = tpu.memref_slice %arg6[%dma_wait3A_453, %dma_wait3A_454, %dma_wait3A_455] : memref<2x1664x32xf32, #tpu.memory_space<vmem>> -> memref<1x128x32xf32, #tpu.memory_space<vmem>>
      %dma_wait3A_457 = tpu.memref_squeeze %dma_wait3A_456 : memref<1x128x32xf32, #tpu.memory_space<vmem>> -> memref<128x32xf32, #tpu.memory_space<vmem>>
      %dma_wait3A_458 = arith.constant 0 : i32
      %dma_wait3A_459 = tpu.memref_slice %arg5[%add3A_75, %dma_wait3A_458] : memref<104x128xi32, #tpu.memory_space<vmem>> -> memref<1x128xi32, #tpu.memory_space<vmem>>
      %dma_wait3A_460 = tpu.memref_squeeze %dma_wait3A_459 : memref<1x128xi32, #tpu.memory_space<vmem>> -> memref<128xi32, #tpu.memory_space<vmem>>
      %dma_wait3A_461 = arith.constant 0 : i32
      %dma_wait3A_462 = arith.constant 0 : i32
      %dma_wait3A_463 = tpu.memref_slice %arg3[%dma_wait3A_461, %dma_wait3A_462] : memref<2609152x32xf32, #tpu.memory_space<hbm>> -> memref<2609152x32xf32, #tpu.memory_space<hbm>>
      tpu.wait_indirect_dma semaphore(%arg7 : memref<!tpu.dma_semaphore, #tpu.memory_space<semaphore_mem>>) src(%dma_wait3A_463 : memref<2609152x32xf32, #tpu.memory_space<hbm>>) dst(%dma_wait3A_457 : memref<128x32xf32, #tpu.memory_space<vmem>>)
      %dma_wait3A_464 = arith.constant 0 : i32
      %dma_wait3A_465 = arith.constant 640 : i32
      %dma_wait3A_466 = arith.constant 0 : i32
      %dma_wait3A_467 = tpu.memref_slice %arg6[%dma_wait3A_464, %dma_wait3A_465, %dma_wait3A_466] : memref<2x1664x32xf32, #tpu.memory_space<vmem>> -> memref<1x128x32xf32, #tpu.memory_space<vmem>>
      %dma_wait3A_468 = tpu.memref_squeeze %dma_wait3A_467 : memref<1x128x32xf32, #tpu.memory_space<vmem>> -> memref<128x32xf32, #tpu.memory_space<vmem>>
      %dma_wait3A_469 = arith.constant 0 : i32
      %dma_wait3A_470 = tpu.memref_slice %arg5[%add3A_90, %dma_wait3A_469] : memref<104x128xi32, #tpu.memory_space<vmem>> -> memref<1x128xi32, #tpu.memory_space<vmem>>
      %dma_wait3A_471 = tpu.memref_squeeze %dma_wait3A_470 : memref<1x128xi32, #tpu.memory_space<vmem>> -> memref<128xi32, #tpu.memory_space<vmem>>
      %dma_wait3A_472 = arith.constant 0 : i32
      %dma_wait3A_473 = arith.constant 0 : i32
      %dma_wait3A_474 = tpu.memref_slice %arg3[%dma_wait3A_472, %dma_wait3A_473] : memref<2609152x32xf32, #tpu.memory_space<hbm>> -> memref<2609152x32xf32, #tpu.memory_space<hbm>>
      tpu.wait_indirect_dma semaphore(%arg7 : memref<!tpu.dma_semaphore, #tpu.memory_space<semaphore_mem>>) src(%dma_wait3A_474 : memref<2609152x32xf32, #tpu.memory_space<hbm>>) dst(%dma_wait3A_468 : memref<128x32xf32, #tpu.memory_space<vmem>>)
      %dma_wait3A_475 = arith.constant 0 : i32
      %dma_wait3A_476 = arith.constant 768 : i32
      %dma_wait3A_477 = arith.constant 0 : i32
      %dma_wait3A_478 = tpu.memref_slice %arg6[%dma_wait3A_475, %dma_wait3A_476, %dma_wait3A_477] : memref<2x1664x32xf32, #tpu.memory_space<vmem>> -> memref<1x128x32xf32, #tpu.memory_space<vmem>>
      %dma_wait3A_479 = tpu.memref_squeeze %dma_wait3A_478 : memref<1x128x32xf32, #tpu.memory_space<vmem>> -> memref<128x32xf32, #tpu.memory_space<vmem>>
      %dma_wait3A_480 = arith.constant 0 : i32
      %dma_wait3A_481 = tpu.memref_slice %arg5[%add3A_105, %dma_wait3A_480] : memref<104x128xi32, #tpu.memory_space<vmem>> -> memref<1x128xi32, #tpu.memory_space<vmem>>
      %dma_wait3A_482 = tpu.memref_squeeze %dma_wait3A_481 : memref<1x128xi32, #tpu.memory_space<vmem>> -> memref<128xi32, #tpu.memory_space<vmem>>
      %dma_wait3A_483 = arith.constant 0 : i32
      %dma_wait3A_484 = arith.constant 0 : i32
      %dma_wait3A_485 = tpu.memref_slice %arg3[%dma_wait3A_483, %dma_wait3A_484] : memref<2609152x32xf32, #tpu.memory_space<hbm>> -> memref<2609152x32xf32, #tpu.memory_space<hbm>>
      tpu.wait_indirect_dma semaphore(%arg7 : memref<!tpu.dma_semaphore, #tpu.memory_space<semaphore_mem>>) src(%dma_wait3A_485 : memref<2609152x32xf32, #tpu.memory_space<hbm>>) dst(%dma_wait3A_479 : memref<128x32xf32, #tpu.memory_space<vmem>>)
      %dma_wait3A_486 = arith.constant 0 : i32
      %dma_wait3A_487 = arith.constant 896 : i32
      %dma_wait3A_488 = arith.constant 0 : i32
      %dma_wait3A_489 = tpu.memref_slice %arg6[%dma_wait3A_486, %dma_wait3A_487, %dma_wait3A_488] : memref<2x1664x32xf32, #tpu.memory_space<vmem>> -> memref<1x128x32xf32, #tpu.memory_space<vmem>>
      %dma_wait3A_490 = tpu.memref_squeeze %dma_wait3A_489 : memref<1x128x32xf32, #tpu.memory_space<vmem>> -> memref<128x32xf32, #tpu.memory_space<vmem>>
      %dma_wait3A_491 = arith.constant 0 : i32
      %dma_wait3A_492 = tpu.memref_slice %arg5[%add3A_120, %dma_wait3A_491] : memref<104x128xi32, #tpu.memory_space<vmem>> -> memref<1x128xi32, #tpu.memory_space<vmem>>
      %dma_wait3A_493 = tpu.memref_squeeze %dma_wait3A_492 : memref<1x128xi32, #tpu.memory_space<vmem>> -> memref<128xi32, #tpu.memory_space<vmem>>
      %dma_wait3A_494 = arith.constant 0 : i32
      %dma_wait3A_495 = arith.constant 0 : i32
      %dma_wait3A_496 = tpu.memref_slice %arg3[%dma_wait3A_494, %dma_wait3A_495] : memref<2609152x32xf32, #tpu.memory_space<hbm>> -> memref<2609152x32xf32, #tpu.memory_space<hbm>>
      tpu.wait_indirect_dma semaphore(%arg7 : memref<!tpu.dma_semaphore, #tpu.memory_space<semaphore_mem>>) src(%dma_wait3A_496 : memref<2609152x32xf32, #tpu.memory_space<hbm>>) dst(%dma_wait3A_490 : memref<128x32xf32, #tpu.memory_space<vmem>>)
      %dma_wait3A_497 = arith.constant 0 : i32
      %dma_wait3A_498 = arith.constant 1024 : i32
      %dma_wait3A_499 = arith.constant 0 : i32
      %dma_wait3A_500 = tpu.memref_slice %arg6[%dma_wait3A_497, %dma_wait3A_498, %dma_wait3A_499] : memref<2x1664x32xf32, #tpu.memory_space<vmem>> -> memref<1x128x32xf32, #tpu.memory_space<vmem>>
      %dma_wait3A_501 = tpu.memref_squeeze %dma_wait3A_500 : memref<1x128x32xf32, #tpu.memory_space<vmem>> -> memref<128x32xf32, #tpu.memory_space<vmem>>
      %dma_wait3A_502 = arith.constant 0 : i32
      %dma_wait3A_503 = tpu.memref_slice %arg5[%add3A_135, %dma_wait3A_502] : memref<104x128xi32, #tpu.memory_space<vmem>> -> memref<1x128xi32, #tpu.memory_space<vmem>>
      %dma_wait3A_504 = tpu.memref_squeeze %dma_wait3A_503 : memref<1x128xi32, #tpu.memory_space<vmem>> -> memref<128xi32, #tpu.memory_space<vmem>>
      %dma_wait3A_505 = arith.constant 0 : i32
      %dma_wait3A_506 = arith.constant 0 : i32
      %dma_wait3A_507 = tpu.memref_slice %arg3[%dma_wait3A_505, %dma_wait3A_506] : memref<2609152x32xf32, #tpu.memory_space<hbm>> -> memref<2609152x32xf32, #tpu.memory_space<hbm>>
      tpu.wait_indirect_dma semaphore(%arg7 : memref<!tpu.dma_semaphore, #tpu.memory_space<semaphore_mem>>) src(%dma_wait3A_507 : memref<2609152x32xf32, #tpu.memory_space<hbm>>) dst(%dma_wait3A_501 : memref<128x32xf32, #tpu.memory_space<vmem>>)
      %dma_wait3A_508 = arith.constant 0 : i32
      %dma_wait3A_509 = arith.constant 1152 : i32
      %dma_wait3A_510 = arith.constant 0 : i32
      %dma_wait3A_511 = tpu.memref_slice %arg6[%dma_wait3A_508, %dma_wait3A_509, %dma_wait3A_510] : memref<2x1664x32xf32, #tpu.memory_space<vmem>> -> memref<1x128x32xf32, #tpu.memory_space<vmem>>
      %dma_wait3A_512 = tpu.memref_squeeze %dma_wait3A_511 : memref<1x128x32xf32, #tpu.memory_space<vmem>> -> memref<128x32xf32, #tpu.memory_space<vmem>>
      %dma_wait3A_513 = arith.constant 0 : i32
      %dma_wait3A_514 = tpu.memref_slice %arg5[%add3A_150, %dma_wait3A_513] : memref<104x128xi32, #tpu.memory_space<vmem>> -> memref<1x128xi32, #tpu.memory_space<vmem>>
      %dma_wait3A_515 = tpu.memref_squeeze %dma_wait3A_514 : memref<1x128xi32, #tpu.memory_space<vmem>> -> memref<128xi32, #tpu.memory_space<vmem>>
      %dma_wait3A_516 = arith.constant 0 : i32
      %dma_wait3A_517 = arith.constant 0 : i32
      %dma_wait3A_518 = tpu.memref_slice %arg3[%dma_wait3A_516, %dma_wait3A_517] : memref<2609152x32xf32, #tpu.memory_space<hbm>> -> memref<2609152x32xf32, #tpu.memory_space<hbm>>
      tpu.wait_indirect_dma semaphore(%arg7 : memref<!tpu.dma_semaphore, #tpu.memory_space<semaphore_mem>>) src(%dma_wait3A_518 : memref<2609152x32xf32, #tpu.memory_space<hbm>>) dst(%dma_wait3A_512 : memref<128x32xf32, #tpu.memory_space<vmem>>)
      %dma_wait3A_519 = arith.constant 0 : i32
      %dma_wait3A_520 = arith.constant 1280 : i32
      %dma_wait3A_521 = arith.constant 0 : i32
      %dma_wait3A_522 = tpu.memref_slice %arg6[%dma_wait3A_519, %dma_wait3A_520, %dma_wait3A_521] : memref<2x1664x32xf32, #tpu.memory_space<vmem>> -> memref<1x128x32xf32, #tpu.memory_space<vmem>>
      %dma_wait3A_523 = tpu.memref_squeeze %dma_wait3A_522 : memref<1x128x32xf32, #tpu.memory_space<vmem>> -> memref<128x32xf32, #tpu.memory_space<vmem>>
      %dma_wait3A_524 = arith.constant 0 : i32
      %dma_wait3A_525 = tpu.memref_slice %arg5[%add3A_165, %dma_wait3A_524] : memref<104x128xi32, #tpu.memory_space<vmem>> -> memref<1x128xi32, #tpu.memory_space<vmem>>
      %dma_wait3A_526 = tpu.memref_squeeze %dma_wait3A_525 : memref<1x128xi32, #tpu.memory_space<vmem>> -> memref<128xi32, #tpu.memory_space<vmem>>
      %dma_wait3A_527 = arith.constant 0 : i32
      %dma_wait3A_528 = arith.constant 0 : i32
      %dma_wait3A_529 = tpu.memref_slice %arg3[%dma_wait3A_527, %dma_wait3A_528] : memref<2609152x32xf32, #tpu.memory_space<hbm>> -> memref<2609152x32xf32, #tpu.memory_space<hbm>>
      tpu.wait_indirect_dma semaphore(%arg7 : memref<!tpu.dma_semaphore, #tpu.memory_space<semaphore_mem>>) src(%dma_wait3A_529 : memref<2609152x32xf32, #tpu.memory_space<hbm>>) dst(%dma_wait3A_523 : memref<128x32xf32, #tpu.memory_space<vmem>>)
      %dma_wait3A_530 = arith.constant 0 : i32
      %dma_wait3A_531 = arith.constant 1408 : i32
      %dma_wait3A_532 = arith.constant 0 : i32
      %dma_wait3A_533 = tpu.memref_slice %arg6[%dma_wait3A_530, %dma_wait3A_531, %dma_wait3A_532] : memref<2x1664x32xf32, #tpu.memory_space<vmem>> -> memref<1x128x32xf32, #tpu.memory_space<vmem>>
      %dma_wait3A_534 = tpu.memref_squeeze %dma_wait3A_533 : memref<1x128x32xf32, #tpu.memory_space<vmem>> -> memref<128x32xf32, #tpu.memory_space<vmem>>
      %dma_wait3A_535 = arith.constant 0 : i32
      %dma_wait3A_536 = tpu.memref_slice %arg5[%add3A_180, %dma_wait3A_535] : memref<104x128xi32, #tpu.memory_space<vmem>> -> memref<1x128xi32, #tpu.memory_space<vmem>>
      %dma_wait3A_537 = tpu.memref_squeeze %dma_wait3A_536 : memref<1x128xi32, #tpu.memory_space<vmem>> -> memref<128xi32, #tpu.memory_space<vmem>>
      %dma_wait3A_538 = arith.constant 0 : i32
      %dma_wait3A_539 = arith.constant 0 : i32
      %dma_wait3A_540 = tpu.memref_slice %arg3[%dma_wait3A_538, %dma_wait3A_539] : memref<2609152x32xf32, #tpu.memory_space<hbm>> -> memref<2609152x32xf32, #tpu.memory_space<hbm>>
      tpu.wait_indirect_dma semaphore(%arg7 : memref<!tpu.dma_semaphore, #tpu.memory_space<semaphore_mem>>) src(%dma_wait3A_540 : memref<2609152x32xf32, #tpu.memory_space<hbm>>) dst(%dma_wait3A_534 : memref<128x32xf32, #tpu.memory_space<vmem>>)
      %dma_wait3A_541 = arith.constant 0 : i32
      %dma_wait3A_542 = arith.constant 1536 : i32
      %dma_wait3A_543 = arith.constant 0 : i32
      %dma_wait3A_544 = tpu.memref_slice %arg6[%dma_wait3A_541, %dma_wait3A_542, %dma_wait3A_543] : memref<2x1664x32xf32, #tpu.memory_space<vmem>> -> memref<1x128x32xf32, #tpu.memory_space<vmem>>
      %dma_wait3A_545 = tpu.memref_squeeze %dma_wait3A_544 : memref<1x128x32xf32, #tpu.memory_space<vmem>> -> memref<128x32xf32, #tpu.memory_space<vmem>>
      %dma_wait3A_546 = arith.constant 0 : i32
      %dma_wait3A_547 = tpu.memref_slice %arg5[%add3A_195, %dma_wait3A_546] : memref<104x128xi32, #tpu.memory_space<vmem>> -> memref<1x128xi32, #tpu.memory_space<vmem>>
      %dma_wait3A_548 = tpu.memref_squeeze %dma_wait3A_547 : memref<1x128xi32, #tpu.memory_space<vmem>> -> memref<128xi32, #tpu.memory_space<vmem>>
      %dma_wait3A_549 = arith.constant 0 : i32
      %dma_wait3A_550 = arith.constant 0 : i32
      %dma_wait3A_551 = tpu.memref_slice %arg3[%dma_wait3A_549, %dma_wait3A_550] : memref<2609152x32xf32, #tpu.memory_space<hbm>> -> memref<2609152x32xf32, #tpu.memory_space<hbm>>
      tpu.wait_indirect_dma semaphore(%arg7 : memref<!tpu.dma_semaphore, #tpu.memory_space<semaphore_mem>>) src(%dma_wait3A_551 : memref<2609152x32xf32, #tpu.memory_space<hbm>>) dst(%dma_wait3A_545 : memref<128x32xf32, #tpu.memory_space<vmem>>)
      %mul3A_552 = arith.constant 1664 : i32
      %mul3A_553 = arith.muli %add3A_409, %mul3A_552 : i32
      %add3A_554 = arith.addi %mul3A_2, %mul3A_553 : i32
      %run_scoped3A = arith.constant 0 : i32
      "tpu.region"() ({
        %run_scoped3A_706 = tpu.sem_alloc : memref<!tpu.dma_semaphore, #tpu.memory_space<semaphore_mem>>
        %dma_start3A_707 = arith.constant 0 : i32
        %dma_start3A_708 = arith.constant 0 : i32
        %dma_start3A_709 = tpu.memref_slice %arg6[%run_scoped3A, %dma_start3A_707, %dma_start3A_708] : memref<2x1664x32xf32, #tpu.memory_space<vmem>> -> memref<1x1664x32xf32, #tpu.memory_space<vmem>>
        %dma_start3A_710 = tpu.memref_squeeze %dma_start3A_709 : memref<1x1664x32xf32, #tpu.memory_space<vmem>> -> memref<1664x32xf32, #tpu.memory_space<vmem>>
        %dma_start3A_711 = arith.constant 0 : i32
        %dma_start3A_712 = tpu.memref_slice %arg4[%add3A_554, %dma_start3A_711] : memref<425984x32xf32, #tpu.memory_space<hbm>> -> memref<1664x32xf32, #tpu.memory_space<hbm>>
        %dma_start3A_713 = arith.constant 0 : i32
        %dma_start3A_714 = tpu.memref_slice %arg4[%add3A_554, %dma_start3A_713] : memref<425984x32xf32, #tpu.memory_space<hbm>> -> memref<1664x32xf32, #tpu.memory_space<hbm>>
        %dma_start3A_715 = arith.constant 0 : i32
        %dma_start3A_716 = arith.constant 0 : i32
        %dma_start3A_717 = tpu.memref_slice %arg6[%run_scoped3A, %dma_start3A_715, %dma_start3A_716] : memref<2x1664x32xf32, #tpu.memory_space<vmem>> -> memref<1x1664x32xf32, #tpu.memory_space<vmem>>
        %dma_start3A_718 = tpu.memref_squeeze %dma_start3A_717 : memref<1x1664x32xf32, #tpu.memory_space<vmem>> -> memref<1664x32xf32, #tpu.memory_space<vmem>>
        tpu.enqueue_dma source(%dma_start3A_718 : memref<1664x32xf32, #tpu.memory_space<vmem>>) target(%dma_start3A_714 : memref<1664x32xf32, #tpu.memory_space<hbm>>) target_semaphore(%run_scoped3A_706 : memref<!tpu.dma_semaphore, #tpu.memory_space<semaphore_mem>>)
        %dma_wait3A_719 = arith.constant 0 : i32
        %dma_wait3A_720 = arith.constant 0 : i32
        %dma_wait3A_721 = tpu.memref_slice %arg6[%run_scoped3A, %dma_wait3A_719, %dma_wait3A_720] : memref<2x1664x32xf32, #tpu.memory_space<vmem>> -> memref<1x1664x32xf32, #tpu.memory_space<vmem>>
        %dma_wait3A_722 = tpu.memref_squeeze %dma_wait3A_721 : memref<1x1664x32xf32, #tpu.memory_space<vmem>> -> memref<1664x32xf32, #tpu.memory_space<vmem>>
        %dma_wait3A_723 = arith.constant 0 : i32
        %dma_wait3A_724 = tpu.memref_slice %arg4[%add3A_554, %dma_wait3A_723] : memref<425984x32xf32, #tpu.memory_space<hbm>> -> memref<1664x32xf32, #tpu.memory_space<hbm>>
        %dma_wait3A_725 = arith.constant 0 : i32
        %dma_wait3A_726 = tpu.memref_slice %arg4[%add3A_554, %dma_wait3A_725] : memref<425984x32xf32, #tpu.memory_space<hbm>> -> memref<1664x32xf32, #tpu.memory_space<hbm>>
        %dma_wait3A_727 = arith.constant 0 : i32
        %dma_wait3A_728 = arith.constant 0 : i32
        %dma_wait3A_729 = tpu.memref_slice %arg6[%run_scoped3A, %dma_wait3A_727, %dma_wait3A_728] : memref<2x1664x32xf32, #tpu.memory_space<vmem>> -> memref<1x1664x32xf32, #tpu.memory_space<vmem>>
        %dma_wait3A_730 = tpu.memref_squeeze %dma_wait3A_729 : memref<1x1664x32xf32, #tpu.memory_space<vmem>> -> memref<1664x32xf32, #tpu.memory_space<vmem>>
        tpu.wait_dma2 semaphore(%run_scoped3A_706 : memref<!tpu.dma_semaphore, #tpu.memory_space<semaphore_mem>>) src(%dma_wait3A_730 : memref<1664x32xf32, #tpu.memory_space<vmem>>) dst(%dma_wait3A_726 : memref<1664x32xf32, #tpu.memory_space<hbm>>)
        tpu.yield
      }) : () -> ()
      %mul3A_555 = arith.constant 2 : i32
      %mul3A_556 = arith.muli %scan3A_8, %mul3A_555 : i32
      %add3A_557 = arith.constant 1 : i32
      %add3A_558 = arith.addi %mul3A_556, %add3A_557 : i32
      %dma_wait3A_559 = arith.constant 1 : i32
      %dma_wait3A_560 = arith.constant 0 : i32
      %dma_wait3A_561 = arith.constant 0 : i32
      %dma_wait3A_562 = tpu.memref_slice %arg6[%dma_wait3A_559, %dma_wait3A_560, %dma_wait3A_561] : memref<2x1664x32xf32, #tpu.memory_space<vmem>> -> memref<1x128x32xf32, #tpu.memory_space<vmem>>
      %dma_wait3A_563 = tpu.memref_squeeze %dma_wait3A_562 : memref<1x128x32xf32, #tpu.memory_space<vmem>> -> memref<128x32xf32, #tpu.memory_space<vmem>>
      %dma_wait3A_564 = arith.constant 0 : i32
      %dma_wait3A_565 = tpu.memref_slice %arg5[%add3A_214, %dma_wait3A_564] : memref<104x128xi32, #tpu.memory_space<vmem>> -> memref<1x128xi32, #tpu.memory_space<vmem>>
      %dma_wait3A_566 = tpu.memref_squeeze %dma_wait3A_565 : memref<1x128xi32, #tpu.memory_space<vmem>> -> memref<128xi32, #tpu.memory_space<vmem>>
      %dma_wait3A_567 = arith.constant 0 : i32
      %dma_wait3A_568 = arith.constant 0 : i32
      %dma_wait3A_569 = tpu.memref_slice %arg3[%dma_wait3A_567, %dma_wait3A_568] : memref<2609152x32xf32, #tpu.memory_space<hbm>> -> memref<2609152x32xf32, #tpu.memory_space<hbm>>
      tpu.wait_indirect_dma semaphore(%arg8 : memref<!tpu.dma_semaphore, #tpu.memory_space<semaphore_mem>>) src(%dma_wait3A_569 : memref<2609152x32xf32, #tpu.memory_space<hbm>>) dst(%dma_wait3A_563 : memref<128x32xf32, #tpu.memory_space<vmem>>)
      %dma_wait3A_570 = arith.constant 1 : i32
      %dma_wait3A_571 = arith.constant 128 : i32
      %dma_wait3A_572 = arith.constant 0 : i32
      %dma_wait3A_573 = tpu.memref_slice %arg6[%dma_wait3A_570, %dma_wait3A_571, %dma_wait3A_572] : memref<2x1664x32xf32, #tpu.memory_space<vmem>> -> memref<1x128x32xf32, #tpu.memory_space<vmem>>
      %dma_wait3A_574 = tpu.memref_squeeze %dma_wait3A_573 : memref<1x128x32xf32, #tpu.memory_space<vmem>> -> memref<128x32xf32, #tpu.memory_space<vmem>>
      %dma_wait3A_575 = arith.constant 0 : i32
      %dma_wait3A_576 = tpu.memref_slice %arg5[%add3A_229, %dma_wait3A_575] : memref<104x128xi32, #tpu.memory_space<vmem>> -> memref<1x128xi32, #tpu.memory_space<vmem>>
      %dma_wait3A_577 = tpu.memref_squeeze %dma_wait3A_576 : memref<1x128xi32, #tpu.memory_space<vmem>> -> memref<128xi32, #tpu.memory_space<vmem>>
      %dma_wait3A_578 = arith.constant 0 : i32
      %dma_wait3A_579 = arith.constant 0 : i32
      %dma_wait3A_580 = tpu.memref_slice %arg3[%dma_wait3A_578, %dma_wait3A_579] : memref<2609152x32xf32, #tpu.memory_space<hbm>> -> memref<2609152x32xf32, #tpu.memory_space<hbm>>
      tpu.wait_indirect_dma semaphore(%arg8 : memref<!tpu.dma_semaphore, #tpu.memory_space<semaphore_mem>>) src(%dma_wait3A_580 : memref<2609152x32xf32, #tpu.memory_space<hbm>>) dst(%dma_wait3A_574 : memref<128x32xf32, #tpu.memory_space<vmem>>)
      %dma_wait3A_581 = arith.constant 1 : i32
      %dma_wait3A_582 = arith.constant 256 : i32
      %dma_wait3A_583 = arith.constant 0 : i32
      %dma_wait3A_584 = tpu.memref_slice %arg6[%dma_wait3A_581, %dma_wait3A_582, %dma_wait3A_583] : memref<2x1664x32xf32, #tpu.memory_space<vmem>> -> memref<1x128x32xf32, #tpu.memory_space<vmem>>
      %dma_wait3A_585 = tpu.memref_squeeze %dma_wait3A_584 : memref<1x128x32xf32, #tpu.memory_space<vmem>> -> memref<128x32xf32, #tpu.memory_space<vmem>>
      %dma_wait3A_586 = arith.constant 0 : i32
      %dma_wait3A_587 = tpu.memref_slice %arg5[%add3A_244, %dma_wait3A_586] : memref<104x128xi32, #tpu.memory_space<vmem>> -> memref<1x128xi32, #tpu.memory_space<vmem>>
      %dma_wait3A_588 = tpu.memref_squeeze %dma_wait3A_587 : memref<1x128xi32, #tpu.memory_space<vmem>> -> memref<128xi32, #tpu.memory_space<vmem>>
      %dma_wait3A_589 = arith.constant 0 : i32
      %dma_wait3A_590 = arith.constant 0 : i32
      %dma_wait3A_591 = tpu.memref_slice %arg3[%dma_wait3A_589, %dma_wait3A_590] : memref<2609152x32xf32, #tpu.memory_space<hbm>> -> memref<2609152x32xf32, #tpu.memory_space<hbm>>
      tpu.wait_indirect_dma semaphore(%arg8 : memref<!tpu.dma_semaphore, #tpu.memory_space<semaphore_mem>>) src(%dma_wait3A_591 : memref<2609152x32xf32, #tpu.memory_space<hbm>>) dst(%dma_wait3A_585 : memref<128x32xf32, #tpu.memory_space<vmem>>)
      %dma_wait3A_592 = arith.constant 1 : i32
      %dma_wait3A_593 = arith.constant 384 : i32
      %dma_wait3A_594 = arith.constant 0 : i32
      %dma_wait3A_595 = tpu.memref_slice %arg6[%dma_wait3A_592, %dma_wait3A_593, %dma_wait3A_594] : memref<2x1664x32xf32, #tpu.memory_space<vmem>> -> memref<1x128x32xf32, #tpu.memory_space<vmem>>
      %dma_wait3A_596 = tpu.memref_squeeze %dma_wait3A_595 : memref<1x128x32xf32, #tpu.memory_space<vmem>> -> memref<128x32xf32, #tpu.memory_space<vmem>>
      %dma_wait3A_597 = arith.constant 0 : i32
      %dma_wait3A_598 = tpu.memref_slice %arg5[%add3A_259, %dma_wait3A_597] : memref<104x128xi32, #tpu.memory_space<vmem>> -> memref<1x128xi32, #tpu.memory_space<vmem>>
      %dma_wait3A_599 = tpu.memref_squeeze %dma_wait3A_598 : memref<1x128xi32, #tpu.memory_space<vmem>> -> memref<128xi32, #tpu.memory_space<vmem>>
      %dma_wait3A_600 = arith.constant 0 : i32
      %dma_wait3A_601 = arith.constant 0 : i32
      %dma_wait3A_602 = tpu.memref_slice %arg3[%dma_wait3A_600, %dma_wait3A_601] : memref<2609152x32xf32, #tpu.memory_space<hbm>> -> memref<2609152x32xf32, #tpu.memory_space<hbm>>
      tpu.wait_indirect_dma semaphore(%arg8 : memref<!tpu.dma_semaphore, #tpu.memory_space<semaphore_mem>>) src(%dma_wait3A_602 : memref<2609152x32xf32, #tpu.memory_space<hbm>>) dst(%dma_wait3A_596 : memref<128x32xf32, #tpu.memory_space<vmem>>)
      %dma_wait3A_603 = arith.constant 1 : i32
      %dma_wait3A_604 = arith.constant 512 : i32
      %dma_wait3A_605 = arith.constant 0 : i32
      %dma_wait3A_606 = tpu.memref_slice %arg6[%dma_wait3A_603, %dma_wait3A_604, %dma_wait3A_605] : memref<2x1664x32xf32, #tpu.memory_space<vmem>> -> memref<1x128x32xf32, #tpu.memory_space<vmem>>
      %dma_wait3A_607 = tpu.memref_squeeze %dma_wait3A_606 : memref<1x128x32xf32, #tpu.memory_space<vmem>> -> memref<128x32xf32, #tpu.memory_space<vmem>>
      %dma_wait3A_608 = arith.constant 0 : i32
      %dma_wait3A_609 = tpu.memref_slice %arg5[%add3A_274, %dma_wait3A_608] : memref<104x128xi32, #tpu.memory_space<vmem>> -> memref<1x128xi32, #tpu.memory_space<vmem>>
      %dma_wait3A_610 = tpu.memref_squeeze %dma_wait3A_609 : memref<1x128xi32, #tpu.memory_space<vmem>> -> memref<128xi32, #tpu.memory_space<vmem>>
      %dma_wait3A_611 = arith.constant 0 : i32
      %dma_wait3A_612 = arith.constant 0 : i32
      %dma_wait3A_613 = tpu.memref_slice %arg3[%dma_wait3A_611, %dma_wait3A_612] : memref<2609152x32xf32, #tpu.memory_space<hbm>> -> memref<2609152x32xf32, #tpu.memory_space<hbm>>
      tpu.wait_indirect_dma semaphore(%arg8 : memref<!tpu.dma_semaphore, #tpu.memory_space<semaphore_mem>>) src(%dma_wait3A_613 : memref<2609152x32xf32, #tpu.memory_space<hbm>>) dst(%dma_wait3A_607 : memref<128x32xf32, #tpu.memory_space<vmem>>)
      %dma_wait3A_614 = arith.constant 1 : i32
      %dma_wait3A_615 = arith.constant 640 : i32
      %dma_wait3A_616 = arith.constant 0 : i32
      %dma_wait3A_617 = tpu.memref_slice %arg6[%dma_wait3A_614, %dma_wait3A_615, %dma_wait3A_616] : memref<2x1664x32xf32, #tpu.memory_space<vmem>> -> memref<1x128x32xf32, #tpu.memory_space<vmem>>
      %dma_wait3A_618 = tpu.memref_squeeze %dma_wait3A_617 : memref<1x128x32xf32, #tpu.memory_space<vmem>> -> memref<128x32xf32, #tpu.memory_space<vmem>>
      %dma_wait3A_619 = arith.constant 0 : i32
      %dma_wait3A_620 = tpu.memref_slice %arg5[%add3A_289, %dma_wait3A_619] : memref<104x128xi32, #tpu.memory_space<vmem>> -> memref<1x128xi32, #tpu.memory_space<vmem>>
      %dma_wait3A_621 = tpu.memref_squeeze %dma_wait3A_620 : memref<1x128xi32, #tpu.memory_space<vmem>> -> memref<128xi32, #tpu.memory_space<vmem>>
      %dma_wait3A_622 = arith.constant 0 : i32
      %dma_wait3A_623 = arith.constant 0 : i32
      %dma_wait3A_624 = tpu.memref_slice %arg3[%dma_wait3A_622, %dma_wait3A_623] : memref<2609152x32xf32, #tpu.memory_space<hbm>> -> memref<2609152x32xf32, #tpu.memory_space<hbm>>
      tpu.wait_indirect_dma semaphore(%arg8 : memref<!tpu.dma_semaphore, #tpu.memory_space<semaphore_mem>>) src(%dma_wait3A_624 : memref<2609152x32xf32, #tpu.memory_space<hbm>>) dst(%dma_wait3A_618 : memref<128x32xf32, #tpu.memory_space<vmem>>)
      %dma_wait3A_625 = arith.constant 1 : i32
      %dma_wait3A_626 = arith.constant 768 : i32
      %dma_wait3A_627 = arith.constant 0 : i32
      %dma_wait3A_628 = tpu.memref_slice %arg6[%dma_wait3A_625, %dma_wait3A_626, %dma_wait3A_627] : memref<2x1664x32xf32, #tpu.memory_space<vmem>> -> memref<1x128x32xf32, #tpu.memory_space<vmem>>
      %dma_wait3A_629 = tpu.memref_squeeze %dma_wait3A_628 : memref<1x128x32xf32, #tpu.memory_space<vmem>> -> memref<128x32xf32, #tpu.memory_space<vmem>>
      %dma_wait3A_630 = arith.constant 0 : i32
      %dma_wait3A_631 = tpu.memref_slice %arg5[%add3A_304, %dma_wait3A_630] : memref<104x128xi32, #tpu.memory_space<vmem>> -> memref<1x128xi32, #tpu.memory_space<vmem>>
      %dma_wait3A_632 = tpu.memref_squeeze %dma_wait3A_631 : memref<1x128xi32, #tpu.memory_space<vmem>> -> memref<128xi32, #tpu.memory_space<vmem>>
      %dma_wait3A_633 = arith.constant 0 : i32
      %dma_wait3A_634 = arith.constant 0 : i32
      %dma_wait3A_635 = tpu.memref_slice %arg3[%dma_wait3A_633, %dma_wait3A_634] : memref<2609152x32xf32, #tpu.memory_space<hbm>> -> memref<2609152x32xf32, #tpu.memory_space<hbm>>
      tpu.wait_indirect_dma semaphore(%arg8 : memref<!tpu.dma_semaphore, #tpu.memory_space<semaphore_mem>>) src(%dma_wait3A_635 : memref<2609152x32xf32, #tpu.memory_space<hbm>>) dst(%dma_wait3A_629 : memref<128x32xf32, #tpu.memory_space<vmem>>)
      %dma_wait3A_636 = arith.constant 1 : i32
      %dma_wait3A_637 = arith.constant 896 : i32
      %dma_wait3A_638 = arith.constant 0 : i32
      %dma_wait3A_639 = tpu.memref_slice %arg6[%dma_wait3A_636, %dma_wait3A_637, %dma_wait3A_638] : memref<2x1664x32xf32, #tpu.memory_space<vmem>> -> memref<1x128x32xf32, #tpu.memory_space<vmem>>
      %dma_wait3A_640 = tpu.memref_squeeze %dma_wait3A_639 : memref<1x128x32xf32, #tpu.memory_space<vmem>> -> memref<128x32xf32, #tpu.memory_space<vmem>>
      %dma_wait3A_641 = arith.constant 0 : i32
      %dma_wait3A_642 = tpu.memref_slice %arg5[%add3A_319, %dma_wait3A_641] : memref<104x128xi32, #tpu.memory_space<vmem>> -> memref<1x128xi32, #tpu.memory_space<vmem>>
      %dma_wait3A_643 = tpu.memref_squeeze %dma_wait3A_642 : memref<1x128xi32, #tpu.memory_space<vmem>> -> memref<128xi32, #tpu.memory_space<vmem>>
      %dma_wait3A_644 = arith.constant 0 : i32
      %dma_wait3A_645 = arith.constant 0 : i32
      %dma_wait3A_646 = tpu.memref_slice %arg3[%dma_wait3A_644, %dma_wait3A_645] : memref<2609152x32xf32, #tpu.memory_space<hbm>> -> memref<2609152x32xf32, #tpu.memory_space<hbm>>
      tpu.wait_indirect_dma semaphore(%arg8 : memref<!tpu.dma_semaphore, #tpu.memory_space<semaphore_mem>>) src(%dma_wait3A_646 : memref<2609152x32xf32, #tpu.memory_space<hbm>>) dst(%dma_wait3A_640 : memref<128x32xf32, #tpu.memory_space<vmem>>)
      %dma_wait3A_647 = arith.constant 1 : i32
      %dma_wait3A_648 = arith.constant 1024 : i32
      %dma_wait3A_649 = arith.constant 0 : i32
      %dma_wait3A_650 = tpu.memref_slice %arg6[%dma_wait3A_647, %dma_wait3A_648, %dma_wait3A_649] : memref<2x1664x32xf32, #tpu.memory_space<vmem>> -> memref<1x128x32xf32, #tpu.memory_space<vmem>>
      %dma_wait3A_651 = tpu.memref_squeeze %dma_wait3A_650 : memref<1x128x32xf32, #tpu.memory_space<vmem>> -> memref<128x32xf32, #tpu.memory_space<vmem>>
      %dma_wait3A_652 = arith.constant 0 : i32
      %dma_wait3A_653 = tpu.memref_slice %arg5[%add3A_334, %dma_wait3A_652] : memref<104x128xi32, #tpu.memory_space<vmem>> -> memref<1x128xi32, #tpu.memory_space<vmem>>
      %dma_wait3A_654 = tpu.memref_squeeze %dma_wait3A_653 : memref<1x128xi32, #tpu.memory_space<vmem>> -> memref<128xi32, #tpu.memory_space<vmem>>
      %dma_wait3A_655 = arith.constant 0 : i32
      %dma_wait3A_656 = arith.constant 0 : i32
      %dma_wait3A_657 = tpu.memref_slice %arg3[%dma_wait3A_655, %dma_wait3A_656] : memref<2609152x32xf32, #tpu.memory_space<hbm>> -> memref<2609152x32xf32, #tpu.memory_space<hbm>>
      tpu.wait_indirect_dma semaphore(%arg8 : memref<!tpu.dma_semaphore, #tpu.memory_space<semaphore_mem>>) src(%dma_wait3A_657 : memref<2609152x32xf32, #tpu.memory_space<hbm>>) dst(%dma_wait3A_651 : memref<128x32xf32, #tpu.memory_space<vmem>>)
      %dma_wait3A_658 = arith.constant 1 : i32
      %dma_wait3A_659 = arith.constant 1152 : i32
      %dma_wait3A_660 = arith.constant 0 : i32
      %dma_wait3A_661 = tpu.memref_slice %arg6[%dma_wait3A_658, %dma_wait3A_659, %dma_wait3A_660] : memref<2x1664x32xf32, #tpu.memory_space<vmem>> -> memref<1x128x32xf32, #tpu.memory_space<vmem>>
      %dma_wait3A_662 = tpu.memref_squeeze %dma_wait3A_661 : memref<1x128x32xf32, #tpu.memory_space<vmem>> -> memref<128x32xf32, #tpu.memory_space<vmem>>
      %dma_wait3A_663 = arith.constant 0 : i32
      %dma_wait3A_664 = tpu.memref_slice %arg5[%add3A_349, %dma_wait3A_663] : memref<104x128xi32, #tpu.memory_space<vmem>> -> memref<1x128xi32, #tpu.memory_space<vmem>>
      %dma_wait3A_665 = tpu.memref_squeeze %dma_wait3A_664 : memref<1x128xi32, #tpu.memory_space<vmem>> -> memref<128xi32, #tpu.memory_space<vmem>>
      %dma_wait3A_666 = arith.constant 0 : i32
      %dma_wait3A_667 = arith.constant 0 : i32
      %dma_wait3A_668 = tpu.memref_slice %arg3[%dma_wait3A_666, %dma_wait3A_667] : memref<2609152x32xf32, #tpu.memory_space<hbm>> -> memref<2609152x32xf32, #tpu.memory_space<hbm>>
      tpu.wait_indirect_dma semaphore(%arg8 : memref<!tpu.dma_semaphore, #tpu.memory_space<semaphore_mem>>) src(%dma_wait3A_668 : memref<2609152x32xf32, #tpu.memory_space<hbm>>) dst(%dma_wait3A_662 : memref<128x32xf32, #tpu.memory_space<vmem>>)
      %dma_wait3A_669 = arith.constant 1 : i32
      %dma_wait3A_670 = arith.constant 1280 : i32
      %dma_wait3A_671 = arith.constant 0 : i32
      %dma_wait3A_672 = tpu.memref_slice %arg6[%dma_wait3A_669, %dma_wait3A_670, %dma_wait3A_671] : memref<2x1664x32xf32, #tpu.memory_space<vmem>> -> memref<1x128x32xf32, #tpu.memory_space<vmem>>
      %dma_wait3A_673 = tpu.memref_squeeze %dma_wait3A_672 : memref<1x128x32xf32, #tpu.memory_space<vmem>> -> memref<128x32xf32, #tpu.memory_space<vmem>>
      %dma_wait3A_674 = arith.constant 0 : i32
      %dma_wait3A_675 = tpu.memref_slice %arg5[%add3A_364, %dma_wait3A_674] : memref<104x128xi32, #tpu.memory_space<vmem>> -> memref<1x128xi32, #tpu.memory_space<vmem>>
      %dma_wait3A_676 = tpu.memref_squeeze %dma_wait3A_675 : memref<1x128xi32, #tpu.memory_space<vmem>> -> memref<128xi32, #tpu.memory_space<vmem>>
      %dma_wait3A_677 = arith.constant 0 : i32
      %dma_wait3A_678 = arith.constant 0 : i32
      %dma_wait3A_679 = tpu.memref_slice %arg3[%dma_wait3A_677, %dma_wait3A_678] : memref<2609152x32xf32, #tpu.memory_space<hbm>> -> memref<2609152x32xf32, #tpu.memory_space<hbm>>
      tpu.wait_indirect_dma semaphore(%arg8 : memref<!tpu.dma_semaphore, #tpu.memory_space<semaphore_mem>>) src(%dma_wait3A_679 : memref<2609152x32xf32, #tpu.memory_space<hbm>>) dst(%dma_wait3A_673 : memref<128x32xf32, #tpu.memory_space<vmem>>)
      %dma_wait3A_680 = arith.constant 1 : i32
      %dma_wait3A_681 = arith.constant 1408 : i32
      %dma_wait3A_682 = arith.constant 0 : i32
      %dma_wait3A_683 = tpu.memref_slice %arg6[%dma_wait3A_680, %dma_wait3A_681, %dma_wait3A_682] : memref<2x1664x32xf32, #tpu.memory_space<vmem>> -> memref<1x128x32xf32, #tpu.memory_space<vmem>>
      %dma_wait3A_684 = tpu.memref_squeeze %dma_wait3A_683 : memref<1x128x32xf32, #tpu.memory_space<vmem>> -> memref<128x32xf32, #tpu.memory_space<vmem>>
      %dma_wait3A_685 = arith.constant 0 : i32
      %dma_wait3A_686 = tpu.memref_slice %arg5[%add3A_379, %dma_wait3A_685] : memref<104x128xi32, #tpu.memory_space<vmem>> -> memref<1x128xi32, #tpu.memory_space<vmem>>
      %dma_wait3A_687 = tpu.memref_squeeze %dma_wait3A_686 : memref<1x128xi32, #tpu.memory_space<vmem>> -> memref<128xi32, #tpu.memory_space<vmem>>
      %dma_wait3A_688 = arith.constant 0 : i32
      %dma_wait3A_689 = arith.constant 0 : i32
      %dma_wait3A_690 = tpu.memref_slice %arg3[%dma_wait3A_688, %dma_wait3A_689] : memref<2609152x32xf32, #tpu.memory_space<hbm>> -> memref<2609152x32xf32, #tpu.memory_space<hbm>>
      tpu.wait_indirect_dma semaphore(%arg8 : memref<!tpu.dma_semaphore, #tpu.memory_space<semaphore_mem>>) src(%dma_wait3A_690 : memref<2609152x32xf32, #tpu.memory_space<hbm>>) dst(%dma_wait3A_684 : memref<128x32xf32, #tpu.memory_space<vmem>>)
      %dma_wait3A_691 = arith.constant 1 : i32
      %dma_wait3A_692 = arith.constant 1536 : i32
      %dma_wait3A_693 = arith.constant 0 : i32
      %dma_wait3A_694 = tpu.memref_slice %arg6[%dma_wait3A_691, %dma_wait3A_692, %dma_wait3A_693] : memref<2x1664x32xf32, #tpu.memory_space<vmem>> -> memref<1x128x32xf32, #tpu.memory_space<vmem>>
      %dma_wait3A_695 = tpu.memref_squeeze %dma_wait3A_694 : memref<1x128x32xf32, #tpu.memory_space<vmem>> -> memref<128x32xf32, #tpu.memory_space<vmem>>
      %dma_wait3A_696 = arith.constant 0 : i32
      %dma_wait3A_697 = tpu.memref_slice %arg5[%add3A_394, %dma_wait3A_696] : memref<104x128xi32, #tpu.memory_space<vmem>> -> memref<1x128xi32, #tpu.memory_space<vmem>>
      %dma_wait3A_698 = tpu.memref_squeeze %dma_wait3A_697 : memref<1x128xi32, #tpu.memory_space<vmem>> -> memref<128xi32, #tpu.memory_space<vmem>>
      %dma_wait3A_699 = arith.constant 0 : i32
      %dma_wait3A_700 = arith.constant 0 : i32
      %dma_wait3A_701 = tpu.memref_slice %arg3[%dma_wait3A_699, %dma_wait3A_700] : memref<2609152x32xf32, #tpu.memory_space<hbm>> -> memref<2609152x32xf32, #tpu.memory_space<hbm>>
      tpu.wait_indirect_dma semaphore(%arg8 : memref<!tpu.dma_semaphore, #tpu.memory_space<semaphore_mem>>) src(%dma_wait3A_701 : memref<2609152x32xf32, #tpu.memory_space<hbm>>) dst(%dma_wait3A_695 : memref<128x32xf32, #tpu.memory_space<vmem>>)
      %mul3A_702 = arith.constant 1664 : i32
      %mul3A_703 = arith.muli %add3A_558, %mul3A_702 : i32
      %add3A_704 = arith.addi %mul3A_2, %mul3A_703 : i32
      %run_scoped3A_705 = arith.constant 1 : i32
      "tpu.region"() ({
        %run_scoped3A_706 = tpu.sem_alloc : memref<!tpu.dma_semaphore, #tpu.memory_space<semaphore_mem>>
        %dma_start3A_707 = arith.constant 0 : i32
        %dma_start3A_708 = arith.constant 0 : i32
        %dma_start3A_709 = tpu.memref_slice %arg6[%run_scoped3A_705, %dma_start3A_707, %dma_start3A_708] : memref<2x1664x32xf32, #tpu.memory_space<vmem>> -> memref<1x1664x32xf32, #tpu.memory_space<vmem>>
        %dma_start3A_710 = tpu.memref_squeeze %dma_start3A_709 : memref<1x1664x32xf32, #tpu.memory_space<vmem>> -> memref<1664x32xf32, #tpu.memory_space<vmem>>
        %dma_start3A_711 = arith.constant 0 : i32
        %dma_start3A_712 = tpu.memref_slice %arg4[%add3A_704, %dma_start3A_711] : memref<425984x32xf32, #tpu.memory_space<hbm>> -> memref<1664x32xf32, #tpu.memory_space<hbm>>
        %dma_start3A_713 = arith.constant 0 : i32
        %dma_start3A_714 = tpu.memref_slice %arg4[%add3A_704, %dma_start3A_713] : memref<425984x32xf32, #tpu.memory_space<hbm>> -> memref<1664x32xf32, #tpu.memory_space<hbm>>
        %dma_start3A_715 = arith.constant 0 : i32
        %dma_start3A_716 = arith.constant 0 : i32
        %dma_start3A_717 = tpu.memref_slice %arg6[%run_scoped3A_705, %dma_start3A_715, %dma_start3A_716] : memref<2x1664x32xf32, #tpu.memory_space<vmem>> -> memref<1x1664x32xf32, #tpu.memory_space<vmem>>
        %dma_start3A_718 = tpu.memref_squeeze %dma_start3A_717 : memref<1x1664x32xf32, #tpu.memory_space<vmem>> -> memref<1664x32xf32, #tpu.memory_space<vmem>>
        tpu.enqueue_dma source(%dma_start3A_718 : memref<1664x32xf32, #tpu.memory_space<vmem>>) target(%dma_start3A_714 : memref<1664x32xf32, #tpu.memory_space<hbm>>) target_semaphore(%run_scoped3A_706 : memref<!tpu.dma_semaphore, #tpu.memory_space<semaphore_mem>>)
        %dma_wait3A_719 = arith.constant 0 : i32
        %dma_wait3A_720 = arith.constant 0 : i32
        %dma_wait3A_721 = tpu.memref_slice %arg6[%run_scoped3A_705, %dma_wait3A_719, %dma_wait3A_720] : memref<2x1664x32xf32, #tpu.memory_space<vmem>> -> memref<1x1664x32xf32, #tpu.memory_space<vmem>>
        %dma_wait3A_722 = tpu.memref_squeeze %dma_wait3A_721 : memref<1x1664x32xf32, #tpu.memory_space<vmem>> -> memref<1664x32xf32, #tpu.memory_space<vmem>>
        %dma_wait3A_723 = arith.constant 0 : i32
        %dma_wait3A_724 = tpu.memref_slice %arg4[%add3A_704, %dma_wait3A_723] : memref<425984x32xf32, #tpu.memory_space<hbm>> -> memref<1664x32xf32, #tpu.memory_space<hbm>>
        %dma_wait3A_725 = arith.constant 0 : i32
        %dma_wait3A_726 = tpu.memref_slice %arg4[%add3A_704, %dma_wait3A_725] : memref<425984x32xf32, #tpu.memory_space<hbm>> -> memref<1664x32xf32, #tpu.memory_space<hbm>>
        %dma_wait3A_727 = arith.constant 0 : i32
        %dma_wait3A_728 = arith.constant 0 : i32
        %dma_wait3A_729 = tpu.memref_slice %arg6[%run_scoped3A_705, %dma_wait3A_727, %dma_wait3A_728] : memref<2x1664x32xf32, #tpu.memory_space<vmem>> -> memref<1x1664x32xf32, #tpu.memory_space<vmem>>
        %dma_wait3A_730 = tpu.memref_squeeze %dma_wait3A_729 : memref<1x1664x32xf32, #tpu.memory_space<vmem>> -> memref<1664x32xf32, #tpu.memory_space<vmem>>
        tpu.wait_dma2 semaphore(%run_scoped3A_706 : memref<!tpu.dma_semaphore, #tpu.memory_space<semaphore_mem>>) src(%dma_wait3A_730 : memref<1664x32xf32, #tpu.memory_space<vmem>>) dst(%dma_wait3A_726 : memref<1664x32xf32, #tpu.memory_space<hbm>>)
        tpu.yield
      }) : () -> ()
    }
    %scan3A_7 = arith.constant 4 : i32
    return
  }
}

module attributes {stable_mosaic.version = 14 : i64} {
  func.func @_tr_body(%arg0: i32, %arg1: i32, %arg2: memref<1x32x50176xf32, #tpu.memory_space<vmem>>, %arg3: memref<128x128xf32, #tpu.memory_space<vmem>>, %arg4: memref<1x12544x128xf32, #tpu.memory_space<vmem>>) attributes {dimension_semantics = [#tpu.dimension_semantics<arbitrary>, #tpu.dimension_semantics<arbitrary>], iteration_bounds = array<i64: 26, 2>, scalar_prefetch = 0 : i64, scratch_operands = 0 : i64, tpu.core_type = #tpu.core_type<tc>, window_params = [{transform_indices = @transform_0, window_bounds = array<i64: 1, 32, 50176>}, {pipeline_mode = #tpu.pipeline_mode<synchronous>, transform_indices = @transform_1, window_bounds = array<i64: 128, 128>}, {transform_indices = @transform_2, window_bounds = array<i64: 1, 12544, 128>}]} {
    %get3A = arith.constant 0 : index
    %get3A_0 = arith.constant 0 : index
    %get3A_1 = arith.constant 0 : index
    %get3A_2 = vector.load %arg2[%get3A, %get3A_0, %get3A_1] : memref<1x32x50176xf32, #tpu.memory_space<vmem>>, vector<1x32x50176xf32>
    %get3A_3 = vector.shape_cast %get3A_2 : vector<1x32x50176xf32> to vector<32x50176xf32>
    %slice3A = vector.extract_strided_slice %get3A_3 {offsets = [0, 0], sizes = [32, 12544], strides = [1, 1]} : vector<32x50176xf32> to vector<32x12544xf32>
    %get3A_4 = arith.constant 0 : index
    %get3A_5 = arith.constant 0 : index
    %get3A_6 = vector.load %arg3[%get3A_4, %get3A_5] : memref<128x128xf32, #tpu.memory_space<vmem>>, vector<32x128xf32>
    %dot_general3A = arith.constant dense<0.000000e+00> : vector<12544x128xf32>
    %dot_general3A_7 = tpu.matmul %slice3A, %get3A_6, %dot_general3A {dimension_numbers = #tpu.dot_dimension_numbers<[0], [0], [1], [1], [0, 1, 1, 1], [], []>, transpose_lhs_hint = true} : vector<32x12544xf32>, vector<32x128xf32>, vector<12544x128xf32> -> vector<12544x128xf32>
    %slice3A_8 = vector.extract_strided_slice %get3A_3 {offsets = [0, 12544], sizes = [32, 12544], strides = [1, 1]} : vector<32x50176xf32> to vector<32x12544xf32>
    %get3A_9 = arith.constant 32 : index
    %get3A_10 = arith.constant 0 : index
    %get3A_11 = vector.load %arg3[%get3A_9, %get3A_10] : memref<128x128xf32, #tpu.memory_space<vmem>>, vector<32x128xf32>
    %dot_general3A_12 = arith.constant dense<0.000000e+00> : vector<12544x128xf32>
    %dot_general3A_13 = tpu.matmul %slice3A_8, %get3A_11, %dot_general3A_12 {dimension_numbers = #tpu.dot_dimension_numbers<[0], [0], [1], [1], [0, 1, 1, 1], [], []>, transpose_lhs_hint = true} : vector<32x12544xf32>, vector<32x128xf32>, vector<12544x128xf32> -> vector<12544x128xf32>
    %add3A = arith.addf %dot_general3A_7, %dot_general3A_13 : vector<12544x128xf32>
    %slice3A_14 = vector.extract_strided_slice %get3A_3 {offsets = [0, 25088], sizes = [32, 12544], strides = [1, 1]} : vector<32x50176xf32> to vector<32x12544xf32>
    %get3A_15 = arith.constant 64 : index
    %get3A_16 = arith.constant 0 : index
    %get3A_17 = vector.load %arg3[%get3A_15, %get3A_16] : memref<128x128xf32, #tpu.memory_space<vmem>>, vector<32x128xf32>
    %dot_general3A_18 = arith.constant dense<0.000000e+00> : vector<12544x128xf32>
    %dot_general3A_19 = tpu.matmul %slice3A_14, %get3A_17, %dot_general3A_18 {dimension_numbers = #tpu.dot_dimension_numbers<[0], [0], [1], [1], [0, 1, 1, 1], [], []>, transpose_lhs_hint = true} : vector<32x12544xf32>, vector<32x128xf32>, vector<12544x128xf32> -> vector<12544x128xf32>
    %add3A_20 = arith.addf %add3A, %dot_general3A_19 : vector<12544x128xf32>
    %slice3A_21 = vector.extract_strided_slice %get3A_3 {offsets = [0, 37632], sizes = [32, 12544], strides = [1, 1]} : vector<32x50176xf32> to vector<32x12544xf32>
    %get3A_22 = arith.constant 96 : index
    %get3A_23 = arith.constant 0 : index
    %get3A_24 = vector.load %arg3[%get3A_22, %get3A_23] : memref<128x128xf32, #tpu.memory_space<vmem>>, vector<32x128xf32>
    %dot_general3A_25 = arith.constant dense<0.000000e+00> : vector<12544x128xf32>
    %dot_general3A_26 = tpu.matmul %slice3A_21, %get3A_24, %dot_general3A_25 {dimension_numbers = #tpu.dot_dimension_numbers<[0], [0], [1], [1], [0, 1, 1, 1], [], []>, transpose_lhs_hint = true} : vector<32x12544xf32>, vector<32x128xf32>, vector<12544x128xf32> -> vector<12544x128xf32>
    %add3A_27 = arith.addf %add3A_20, %dot_general3A_26 : vector<12544x128xf32>
    %swap3A = arith.constant 0 : index
    %swap3A_28 = arith.constant 0 : index
    %swap3A_29 = arith.constant 0 : index
    %swap3A_30 = vector.load %arg4[%swap3A, %swap3A_28, %swap3A_29] : memref<1x12544x128xf32, #tpu.memory_space<vmem>>, vector<1x12544x128xf32>
    %swap3A_31 = vector.shape_cast %swap3A_30 : vector<1x12544x128xf32> to vector<12544x128xf32>
    %swap3A_32 = vector.shape_cast %add3A_27 : vector<12544x128xf32> to vector<1x12544x128xf32>
    tpu.vector_store %arg4[%swap3A, %swap3A_28, %swap3A_29], %swap3A_32 {strides = array<i32>} : memref<1x12544x128xf32, #tpu.memory_space<vmem>>, vector<1x12544x128xf32>,
    return
  }
  func.func @transform_0(%arg0: i32, %arg1: i32) -> (i32, i32, i32) {
    %c0_i32 = arith.constant 0 : i32
    %c0_i32_0 = arith.constant 0 : i32
    return %arg0, %c0_i32, %arg1 : i32, i32, i32
  }
  func.func @transform_1(%arg0: i32, %arg1: i32) -> (i32, i32) {
    %c0_i32 = arith.constant 0 : i32
    %c0_i32_0 = arith.constant 0 : i32
    %c0_i32_1 = arith.constant 0 : i32
    return %c0_i32, %c0_i32_0 : i32, i32
  }
  func.func @transform_2(%arg0: i32, %arg1: i32) -> (i32, i32, i32) {
    %c0_i32 = arith.constant 0 : i32
    %c0_i32_0 = arith.constant 0 : i32
    return %arg0, %arg1, %c0_i32 : i32, i32, i32
  }
}

module attributes {stable_mosaic.version = 14 : i64} {
  func.func @_mlp_body(%arg0: i32, %arg1: memref<1024x832xf32, #tpu.memory_space<vmem>>, %arg2: memref<832x256xf32, #tpu.memory_space<vmem>>, %arg3: memref<1x256xf32, #tpu.memory_space<vmem>>, %arg4: memref<256x128xf32, #tpu.memory_space<vmem>>, %arg5: memref<1x128xf32, #tpu.memory_space<vmem>>, %arg6: memref<1024x128xf32, #tpu.memory_space<vmem>>) attributes {dimension_semantics = [#tpu.dimension_semantics<arbitrary>], iteration_bounds = array<i64: 16>, scalar_prefetch = 0 : i64, scratch_operands = 0 : i64, tpu.core_type = #tpu.core_type<tc>, window_params = [{transform_indices = @transform_0, window_bounds = array<i64: 1024, 832>}, {pipeline_mode = #tpu.pipeline_mode<synchronous>, transform_indices = @transform_1, window_bounds = array<i64: 832, 256>}, {pipeline_mode = #tpu.pipeline_mode<synchronous>, transform_indices = @transform_2, window_bounds = array<i64: 1, 256>}, {pipeline_mode = #tpu.pipeline_mode<synchronous>, transform_indices = @transform_3, window_bounds = array<i64: 256, 128>}, {pipeline_mode = #tpu.pipeline_mode<synchronous>, transform_indices = @transform_4, window_bounds = array<i64: 1, 128>}, {transform_indices = @transform_5, window_bounds = array<i64: 1024, 128>}]} {
    %get3A = arith.constant 0 : index
    %get3A_0 = arith.constant 0 : index
    %get3A_1 = vector.load %arg1[%get3A, %get3A_0] : memref<1024x832xf32, #tpu.memory_space<vmem>>, vector<1024x832xf32>
    %get3A_2 = arith.constant 0 : index
    %get3A_3 = arith.constant 0 : index
    %get3A_4 = vector.load %arg2[%get3A_2, %get3A_3] : memref<832x256xf32, #tpu.memory_space<vmem>>, vector<832x256xf32>
    %dot_general3A = arith.constant dense<0.000000e+00> : vector<1024x256xf32>
    %dot_general3A_5 = tpu.matmul %get3A_1, %get3A_4, %dot_general3A {dimension_numbers = #tpu.dot_dimension_numbers<[1], [0], [0], [1], [0, 0, 1, 1], [], []>, transpose_lhs_hint = false} : vector<1024x832xf32>, vector<832x256xf32>, vector<1024x256xf32> -> vector<1024x256xf32>
    %get3A_6 = arith.constant 0 : index
    %get3A_7 = arith.constant 0 : index
    %get3A_8 = vector.load %arg3[%get3A_6, %get3A_7] : memref<1x256xf32, #tpu.memory_space<vmem>>, vector<1x256xf32>
    %add3A = vector.broadcast %get3A_8 : vector<1x256xf32> to vector<1024x256xf32>
    %add3A_9 = arith.addf %dot_general3A_5, %add3A : vector<1024x256xf32>
    %max3A = arith.constant 0.000000e+00 : f32
    %max3A_10 = vector.broadcast %max3A : f32 to vector<1024x256xf32>
    %max3A_11 = arith.maximumf %add3A_9, %max3A_10 : vector<1024x256xf32>
    %get3A_12 = arith.constant 0 : index
    %get3A_13 = arith.constant 0 : index
    %get3A_14 = vector.load %arg4[%get3A_12, %get3A_13] : memref<256x128xf32, #tpu.memory_space<vmem>>, vector<256x128xf32>
    %dot_general3A_15 = arith.constant dense<0.000000e+00> : vector<1024x128xf32>
    %dot_general3A_16 = tpu.matmul %max3A_11, %get3A_14, %dot_general3A_15 {dimension_numbers = #tpu.dot_dimension_numbers<[1], [0], [0], [1], [0, 0, 1, 1], [], []>, transpose_lhs_hint = false} : vector<1024x256xf32>, vector<256x128xf32>, vector<1024x128xf32> -> vector<1024x128xf32>
    %get3A_17 = arith.constant 0 : index
    %get3A_18 = arith.constant 0 : index
    %get3A_19 = vector.load %arg5[%get3A_17, %get3A_18] : memref<1x128xf32, #tpu.memory_space<vmem>>, vector<1x128xf32>
    %add3A_20 = vector.broadcast %get3A_19 : vector<1x128xf32> to vector<1024x128xf32>
    %add3A_21 = arith.addf %dot_general3A_16, %add3A_20 : vector<1024x128xf32>
    %swap3A = arith.constant 0 : index
    %swap3A_22 = arith.constant 0 : index
    %swap3A_23 = vector.load %arg6[%swap3A, %swap3A_22] : memref<1024x128xf32, #tpu.memory_space<vmem>>, vector<1024x128xf32>
    tpu.vector_store %arg6[%swap3A, %swap3A_22], %add3A_21 {strides = array<i32>} : memref<1024x128xf32, #tpu.memory_space<vmem>>, vector<1024x128xf32>,
    return
  }
  func.func @transform_0(%arg0: i32) -> (i32, i32) {
    %c0_i32 = arith.constant 0 : i32
    %c0_i32_0 = arith.constant 0 : i32
    return %arg0, %c0_i32 : i32, i32
  }
  func.func @transform_1(%arg0: i32) -> (i32, i32) {
    %c0_i32 = arith.constant 0 : i32
    %c0_i32_0 = arith.constant 0 : i32
    %c0_i32_1 = arith.constant 0 : i32
    return %c0_i32, %c0_i32_0 : i32, i32
  }
  func.func @transform_2(%arg0: i32) -> (i32, i32) {
    %c0_i32 = arith.constant 0 : i32
    %c0_i32_0 = arith.constant 0 : i32
    %c0_i32_1 = arith.constant 0 : i32
    return %c0_i32, %c0_i32_0 : i32, i32
  }
  func.func @transform_3(%arg0: i32) -> (i32, i32) {
    %c0_i32 = arith.constant 0 : i32
    %c0_i32_0 = arith.constant 0 : i32
    %c0_i32_1 = arith.constant 0 : i32
    return %c0_i32, %c0_i32_0 : i32, i32
  }
  func.func @transform_4(%arg0: i32) -> (i32, i32) {
    %c0_i32 = arith.constant 0 : i32
    %c0_i32_0 = arith.constant 0 : i32
    %c0_i32_1 = arith.constant 0 : i32
    return %c0_i32, %c0_i32_0 : i32, i32
  }
  func.func @transform_5(%arg0: i32) -> (i32, i32) {
    %c0_i32 = arith.constant 0 : i32
    %c0_i32_0 = arith.constant 0 : i32
    return %arg0, %c0_i32 : i32, i32
  }
}

</mosaic_0001>

<sc_bundles>
// kernel: kernel.5.cloned.1.call-start
scs
__scs_entry_jumppad:
0x0: {  	(pc) =	sbr.rel $0x88, $3  }
0x1: {  	(tag) =	ssettag $0x0;
	lr =	simm.s32 $0x1  }
0x2: {  	[smem:$0x3F9B] =	sst lr;
	_ =	strace $0xD0000000  }
0x3: {  	_ = 	snop  }
0x4: {  	_ = 	snop  }
0x5: {  	_ = 	snop  }
0x6: {  	_ = 	snop  }
0x7: {  	_ = 	snop  }
__scs_overlays_trampoline_lowered:
0x8: {  	[smem:$0x3FAA] =	sst s0  }
0x9: {  	[smem:$0x3FAB] =	sst s1  }
0xa: {  	[smem:$0x3FAC] =	sst s2  }
0xb: {  	[smem:$0x3FAD] =	sst s3  }
0xc: {  	[smem:$0x3FAE] =	sst s4  }
0xd: {  	[smem:$0x3FAF] =	sst s5  }
0xe: {  	[smem:$0x3FB0] =	sst s6  }
0xf: {  	[smem:$0x3FB1] =	sst s7  }
0x10: {  	[smem:$0x3FB2] =	sst s8  }
0x11: {  	[smem:$0x3FB3] =	sst s9;
	s0 =	simm.s32 @!p0 $0x0  }
0x12: {  	s1 =	sld [smem:$0x3F99];
	s0 =	simm.s32 @p0 $0x1  }
0x13: {  	[smem:$0x3FB4] =	sst s0;
	s0 =	simm.s32 @!p1 $0x0  }
0x14: {  	s2 =	sld [smem:$0x3F98];
	s0 =	simm.s32 @p1 $0x1  }
0x15: {  	[smem:$0x3FB5] =	sst s0;
	s0 =	simm.s32 @!p2 $0x0  }
0x16: {  	s3 =	sld [smem:$0x3FDB];
	s0 =	simm.s32 @p2 $0x1  }
0x17: {  	s4 =	simm.s32 $0x1BF5;
	[smem:$0x3FB7] =	sst s0  }
0x18: {  	s0 =	sld [smem:$0x3F9A];
	_ =	swait.ge [sflag:s4], $0x0  }
0x19: {  	s7 =	sld [smem:$0x3F9B]  }
0x1a: {  	s8 =	sadd.s32 $0xFFFFE003, lr  }
0x1b: {  	s9 =	sadd.s32 $0xFFFFFEF7, lr;
	s5 =	simm.s32 $0xFFFFFFFF;
	p2 =	slt.u32 s8, $0xFFFFF086  }
0x1c: {  	p1 =	slt.u32 s9, $0xF7A;
	s5 =	simm.s32 @!p2 $0x0  }
0x1d: {  	s5 =	simm.s32 @p1 $0x1;
	p0 =	seq.s32 s7, s2  }
0x1e: {  	s7 =	smul.u32 @!p0 $0xF7A, s2;
	p2 =	seq.s32 @!p0 s5, $0x0  }
0x1f: {  	s9 =	smul.u32 $0xF7A, s1;
	s8 =	simm.s32 @!p0 $0x1BF5;
	p2 =	por !p2, p0  }
0x20: {  	[sflag:s8] =	ssyncset.s32 @!p0 $0xFFFFF086;
	s6 =	sadd.s32 @!p0 s3, s7;
	s7 =	simm.s32 @!p0 $0x108  }
0x21: {  	s3 =	sadd.s32 s3, s9;
	s6 =	sadd.s32 @!p0 $0x88, s6;
	s7 =	simm.s32 @p2 $0x1082  }
0x22: {  	[simem:s7], [sflag:s8] =	dma.local @!p0 [hbm:s6], $0xF7A  }
0x23: {  	s9 =	sor.u32 $0xD0000000, s2;
	s6 =	simm.s32 $0x108;
	_ =	swait.ge @!p0 [sflag:s8], $0x0  }
0x24: {  	s3 =	sadd.s32 $0x88, s3;
	s6 =	simm.s32 @!p1 $0x1082;
	[sflag:s4] =	ssyncset.s32 $0xFFFFF086  }
0x25: {  	[simem:s6], [sflag:s4] =	dma.local [hbm:s3], $0xF7A  }
0x26: {  	[smem:$0x3F9B] =	sst s1;
	(tag) =	ssettag s2;
	_ =	strace s9  }
0x27: {  	s1 =	sld [smem:$0x3FAB]  }
0x28: {  	s2 =	sld [smem:$0x3FAC]  }
0x29: {  	s4 =	sld [smem:$0x3FAE]  }
0x2a: {  	p0 =	seq.s32 s5, $0x0;
	s5 =	sld [smem:$0x3FAF]  }
0x2b: {  	s6 =	sld [smem:$0x3FB0]  }
0x2c: {  	s7 =	sld [smem:$0x3FB1]  }
0x2d: {  	s3 =	simm.s32 $0x108;
	s8 =	sld [smem:$0x3FB2]  }
0x2e: {  	s3 =	simm.s32 @!p0 $0x1082;
	s9 =	sld [smem:$0x3FB3]  }
0x2f: {  	lr =	sadd.s32 s0, s3;
	s0 =	sld [smem:$0x3FAA]  }
0x30: {  	s3 =	sld [smem:$0x3FAD]  }
0x31: {  	[smem:$0x3FB6] =	sst s10  }
0x32: {  	s10 =	sld [smem:$0x3FB4];
	_ =	sdelay $0x3  }
0x33: {  	p0 =	seq.s32 s10, $0x1;
	s10 =	sld [smem:$0x3FB6];
	_ =	sdelay $0x3  }
0x34: {  	[smem:$0x3FB6] =	sst s10  }
0x35: {  	s10 =	sld [smem:$0x3FB5];
	_ =	sdelay $0x3  }
0x36: {  	p1 =	seq.s32 s10, $0x1;
	s10 =	sld [smem:$0x3FB6];
	_ =	sdelay $0x3  }
0x37: {  	[smem:$0x3FB6] =	sst s10  }
0x38: {  	s10 =	sld [smem:$0x3FB7]  }
0x39: {  	_ = 	snop;
	(pc) =	sbr.ind lr, $3  }
0x3a: {  	_ = 	snop  }
0x3b: {  	_ = 	snop  }
0x3c: {  	p2 =	seq.s32 s10, $0x1;
	s10 =	sld [smem:$0x3FB6]  }
0x3d: {  	_ =	shalt  }
0x3e: {  	_ =	shalt  }
0x3f: {  	_ =	shalt  }
0x40: {  	_ =	shalt  }
0x41: {  	_ =	shalt  }
0x42: {  	_ =	shalt  }
0x43: {  	_ =	shalt  }
0x44: {  	_ =	shalt  }
0x45: {  	_ =	shalt  }
0x46: {  	_ =	shalt  }
0x47: {  	_ =	shalt  }
0x48: {  	_ =	shalt  }
0x49: {  	_ =	shalt  }
0x4a: {  	_ =	shalt  }
0x4b: {  	_ =	shalt  }
0x4c: {  	_ =	shalt  }
0x4d: {  	_ =	shalt  }
0x4e: {  	_ =	shalt  }
0x4f: {  	_ =	shalt  }
0x50: {  	_ =	shalt  }
0x51: {  	_ =	shalt  }
0x52: {  	_ =	shalt  }
0x53: {  	_ =	shalt  }
0x54: {  	_ =	shalt  }
0x55: {  	_ =	shalt  }
0x56: {  	_ =	shalt  }
0x57: {  	_ =	shalt  }
0x58: {  	_ =	shalt  }
0x59: {  	_ =	shalt  }
0x5a: {  	_ =	shalt  }
0x5b: {  	_ =	shalt  }
0x5c: {  	_ =	shalt  }
0x5d: {  	_ =	shalt  }
0x5e: {  	_ =	shalt  }
0x5f: {  	_ =	shalt  }
0x60: {  	_ =	shalt  }
0x61: {  	_ =	shalt  }
0x62: {  	_ =	shalt  }
0x63: {  	_ =	shalt  }
0x64: {  	_ =	shalt  }
0x65: {  	_ =	shalt  }
0x66: {  	_ =	shalt  }
0x67: {  	_ =	shalt  }
0x68: {  	_ =	shalt  }
0x69: {  	_ =	shalt  }
0x6a: {  	_ =	shalt  }
0x6b: {  	_ =	shalt  }
0x6c: {  	_ =	shalt  }
0x6d: {  	_ =	shalt  }
0x6e: {  	_ =	shalt  }
0x6f: {  	_ =	shalt  }
0x70: {  	_ =	shalt  }
0x71: {  	_ =	shalt  }
0x72: {  	_ =	shalt  }
0x73: {  	_ =	shalt  }
0x74: {  	_ =	shalt  }
0x75: {  	_ =	shalt  }
0x76: {  	_ =	shalt  }
0x77: {  	_ =	shalt  }
0x78: {  	_ =	shalt  }
0x79: {  	_ =	shalt  }
0x7a: {  	_ =	shalt  }
0x7b: {  	_ =	shalt  }
0x7c: {  	_ =	shalt  }
0x7d: {  	_ =	shalt  }
0x7e: {  	_ =	shalt  }
0x7f: {  	_ =	shalt  }
0x80: {  	_ =	shalt  }
0x81: {  	_ =	shalt  }
0x82: {  	_ =	shalt  }
0x83: {  	_ =	shalt  }
0x84: {  	_ =	shalt  }
0x85: {  	_ =	shalt  }
0x86: {  	_ =	shalt  }
0x87: {  	_ =	shalt  }
.Lfunc_end0:
.L_simem_size_0:
called_computation_lowered:
.L_overlay_start_0:
0x88: {  	s2 =	sld [smem:$0x3FD9]  }
0x89: {  	s3 =	sld [smem:$0x3FFE];
	_ =	sdelay $0x1  }
0x8a: {  	s1 =	srdreg.scid  }
0x8b: {  	s0 =	sand.u32 $0x1, s1  }
0x8c: {  	s17 =	sshll.u32 s0, $0xA;
	s2 =	sadd.s32 s3, s2  }
0x8d: {  	s2 =	sadd.s32 s2, s17  }
0x8e: {  	[smem:$0x3FC2] =	sst s2  }
0x8f: {  	_ = 	snop  }
0x90: {  	s2 =	sld [smem:$0x3FD0];
	(tm) =	ssettm $0x1  }
0x91: {  	s18 =	sld [smem:$0x3FFB];
	_ =	sdelay $0x3  }
0x92: {  	_ =	strace s18  }
0x93: {  	s3 =	sld [smem:$0x3FFC];
	_ =	sdelay $0x3  }
0x94: {  	_ =	strace s3  }
0x95: {  	s3 =	sld [smem:$0x3FFD];
	_ =	sdelay $0x3  }
0x96: {  	_ =	strace s3  }
0x97: {  	_ =	strace $0x8FFFFFFF  }
0x98: {  	s19 =	sld [smem:$0x3FDB];
	_ =	sdelay $0x1  }
0x99: {  	s4 =	simm.s32 $_scs_section_size  }
0x9a: {  	s5 =	simm.s32 $_size__tile_overlayer_lowered;
	s6 =	simm.s32 $_tile_overlayer_lowered  }
0x9b: {  	s22 =	simm.s32 $0x1BFF;
	s21 =	sshll.u32 s6, $0x1;
	s3 =	sadd.s32 s4, s19  }
0x9c: {  	s7 =	simm.s32 $0x0;
	s20 =	sshll.u32 s5, $0x1;
	s5 =	sadd.s32 s21, s3  }
0x9d: {  	[timem:s7], [sflag:s22] =	dma.local [hbm:s5], s20  }
0x9e: {  	_ =	swait.ge [sflag:s22], s20  }
0x9f: {  	s4 =	ssub.s32 $0x0, s20;
	[sflag:s22] =	ssyncset.done $0x0  }
0xa0: {  	[sflag:s22] =	ssyncadd.s32 s4;
	_ =	sdelay $0x1  }
0xa1: {  	s23 =	simm.s32 $0x1B8B  }
0xa2: {  	_ =	swait.ge [sflag:s23], $0x1  }
0xa3: {  	[sflag:s23] =	ssyncset.done $0x0  }
0xa4: {  	s25 =	simm.s32 $0x1B8E;
	s24 =	sld [smem:$0x3FFE];
	[sflag:s23] =	ssyncadd.s32 $0xFFFFFFFF  }
0xa5: {  	s26 =	simm.s32 $execute0_lowered;
	[smem:$0x3FD2] =	sst s25  }
0xa6: {  	s5 =	sshll.u32 s26, $0x1;
	_ =	strace $0x80000046;
	[dreg:$0x1] =	wrdreg $0xFFFFFFFF  }
0xa7: {  	s28 =	simm.s32 $_size_execute0_lowered;
	s3 =	sadd.s32 s3, s5;
	[dreg:$0x0] =	wrdreg $0x0  }
0xa8: {  	s5 =	sshll.u32 s28, $0x1;
	[dreg:$0x2] =	wrdreg s3  }
0xa9: {  	[dreg:$0x3] =	wrdreg s5  }
0xaa: {  	[dreg:$0x4] =	wrdreg $0xC0  }
0xab: {  	_ =	task [dreg:s7], $0x5FFFF  }
0xac: {  	[dreg:$0x1] =	wrdreg $0xFFFFFFFF  }
0xad: {  	[dreg:$0x0] =	wrdreg $0x60  }
0xae: {  	[dreg:$0x2] =	wrdreg s2  }
0xaf: {  	[dreg:$0x3] =	wrdreg s24  }
0xb0: {  	[dreg:$0x4] =	wrdreg $0x9  }
0xb1: {  	_ =	task.clear_ibuf [dreg:s7], $0x5FFFF;
	_ =	strace $0x90000046  }
0xb2: {  	s29 =	simm.s32 $0x9;
	_ =	strace $0x80000048  }
0xb3: {  	_ =	swait.ge [sflag:s29], $0x1  }
0xb4: {  	[sflag:s29] =	ssyncadd.s32 $0xFFFFFFFF  }
0xb5: {  	_ =	strace $0x90000048  }
0xb6: {  	_ =	sfence  }
0xb7: {  	s30 =	sld [smem:$0x0];
	_ =	sdelay $0x2  }
0xb8: {  	s31 =	sshll.u32 s1, $0xD;
	s1 =	sshrl.u32 s1, $0x2  }
0xb9: {  	s3 =	sand.u32 $0x4000, s31;
	s1 =	sadd.s32 s1, s30  }
0xba: {  	s0 =	sor.u32 s3, s0;
	s1 =	sshll.u32 s1, $0x11  }
0xbb: {  	s0 =	sor.u32 s1, s0  }
0xbc: {  	s0 =	sadd.s32 $0x8F2B, s0  }
0xbd: {  	[sflag:s0] =	ssyncadd.remote.s32 $0x1  }
0xbe: {  	_ =	sfence.sel $0xFFFF  }
0xbf: {  	[dreg:$0x0] =	wrdreg $0xFFFFFFFF;
	(pc) =	sbr.abs _section_cstart, $3  }
0xc0: {  	[dreg:$0x1] =	wrdreg $0xFFFFFFFF  }
0xc1: {  	_ =	task.clear_ibuf [dreg:s7], $0x2FFFF;
	_ =	strace $0x9FFFFFFF  }
0xc2: {  	(tm) =	ssettm $0x7FFFFFFF  }
0xc3: {  	_ =	shalt  }
tec
execute0_lowered:
.L_overlay_start_1:
0x0: {  	(tag) =	ssettag $0x1  }
0x1: {  	s4 =	rddreg [dreg:$0x0]  }
0x2: {  	s1 =	srdreg.scid;
	s6 =	rddreg [dreg:$0x1]  }
0x3: {  	s2 =	simm.s32 $0x0;
	s5 =	sand.u32 $0x1, s1;
	s1 =	rddreg [dreg:$0x2]  }
0x4: {  	s29 =	simm.s32 $0x4400;
	[smem:$0x7FF] =	sst s2  }
0x5: {  	s30 =	simm.s32 $0x5400;
	_ =	strace $0x80000047;
	[dreg:$0x5] =	wrdreg s29  }
0x6: {  	s31 =	simm.s32 $0x6400;
	[dreg:$0x6] =	wrdreg s30  }
0x7: {  	s11 =	simm.s32 $0xB400;
	[dreg:$0x7] =	wrdreg s31  }
0x8: {  	s12 =	simm.s32 $0xC400;
	[dreg:$0xc] =	wrdreg s11  }
0x9: {  	s13 =	simm.s32 $0xD400;
	[dreg:$0xd] =	wrdreg s12  }
0xa: {  	s14 =	simm.s32 $0xE400;
	[dreg:$0xe] =	wrdreg s13  }
0xb: {  	s0 =	stileid.u32;
	s15 =	simm.s32 $0xF400;
	[dreg:$0xf] =	wrdreg s14  }
0xc: {  	s16 =	simm.s32 $0x11400;
	s18 =	simm.s32 $0x12400;
	[dreg:$0x10] =	wrdreg s15  }
0xd: {  	s20 =	simm.s32 $0x13400;
	s22 =	simm.s32 $0x14400;
	[dreg:$0x11] =	wrdreg s16  }
0xe: {  	s23 =	simm.s32 $0x15400;
	s24 =	simm.s32 $0x16400;
	[dreg:$0x12] =	wrdreg s18  }
0xf: {  	s25 =	simm.s32 $0x17400;
	s3 =	smul.u32 $0x6800, s0;
	[dreg:$0x13] =	wrdreg s20  }
0x10: {  	s26 =	simm.s32 $0x18400;
	s8 =	smul.u32 $0x1A000, s0;
	[dreg:$0x14] =	wrdreg s22  }
0x11: {  	s9 =	sadd.s32 $0x9F4E00, s6;
	s7 =	smul.u32 $0x3400, s5;
	[dreg:$0x15] =	wrdreg s23  }
0x12: {  	s21 =	sshll.u32 s0, $0x1;
	s10 =	smul.u32 $0xD000, s5;
	[dreg:$0x16] =	wrdreg s24  }
0x13: {  	s17 =	ssub.s32 $0x2, s5;
	s5 =	sor.u32 s5, s21;
	[dreg:$0x17] =	wrdreg s25  }
0x14: {  	[dreg:$0x18] =	wrdreg s26;
	s29 =	simm.s32 $0x1A400;
	s30 =	simm.s32 $0x1B400  }
0x15: {  	s31 =	simm.s32 $0x1C400;
	s11 =	simm.s32 $0x2;
	s12 =	simm.s32 $0x0  }
0x16: {  	s28 =	sadd.s32 s8, s9;
	s8 =	simm.s32 $0x8400;
	[dreg:$0x1a] =	wrdreg s29  }
0x17: {  	s19 =	sshrl.u32 s17, $0x1;
	s5 =	smul.u32 $0x3400, s5;
	[dreg:$0x1b] =	wrdreg s30  }
0x18: {  	[dreg:$0x1c] =	wrdreg s31;
	s3 =	sadd.s32 s7, s3;
	s7 =	sadd.s32 s10, s28  }
0x19: {  	[dreg:$0x9] =	wrdreg s8;
	s10 =	simm.s32 $0xA400;
	s28 =	simm.s32 $0x19400  }
0x1a: {  	s8 =	simm.s32 $0x3400;
	s3 =	sshll.u32 s3, $0x2;
	[dreg:$0x3] =	wrdreg s7  }
0x1b: {  	s7 =	simm.s32 $0x7400;
	[dreg:$0xb] =	wrdreg s10;
	s5 =	sshrl.u32 s5, $0x3  }
0x1c: {  	[dreg:$0x19] =	wrdreg s28;
	s10 =	simm.s32 $0x1;
	s3 =	sadd.s32 s9, s3  }
0x1d: {  	[dreg:$0x8] =	wrdreg s7;
	s9 =	simm.s32 $0x9400;
	s7 =	ssub.s32 s17, s19  }
0x1e: {  	s4 =	sadd.s32 s4, s5;
	s3 =	sadd.s32 $0x1A00, s3;
	[dreg:$0xa] =	wrdreg s9  }
0x1f: {  	s5 =	smax.u32 s7, $0x1;
	s7 =	simm.s32 $0x80;
	s9 =	simm.s32 $0x10400  }
0x20: {  	[dreg:$0x4] =	wrdreg s3;
	s3 =	sadd.s32 $0xE00, s6;
	s6 =	simm.s32 $0x3  }
.LBB2_1:
0x21: {  	[tilespmem:s2], [sflag:$0x3] =	stream.linear.gather [hbm4b:s4+s2], $0x3400, $0x38;
	[tilespmem:$0x1D400] =	vst v63  }
0x22: {  	_ =	swait.ge [sflag:s6], $0x3400  }
0x23: {  	[sflag:s6] =	ssyncset.done $0x0  }
0x24: {  	s13 =	simm.s32 $0x0;
	[sflag:s6] =	ssyncadd.s32 $0xFFFFCC00  }
0x25: {  	[tilespmem:s8], [sflag:$0x1] =	stream.indirect.gather [hbm4b:s3+s7], $0x20, s13, s7, $0xb8;
	[tilespmem:$0x1D400] =	vst v63  }
0x26: {  	s29 =	simm.s32 $0x80;
	s14 =	rddreg [dreg:$0x5]  }
0x27: {  	[tilespmem:s14], [sflag:$0x1] =	stream.indirect.gather [hbm4b:s3+s7], $0x20, s29, s7, $0xb8;
	[tilespmem:$0x1D400] =	vst v63  }
0x28: {  	s31 =	simm.s32 $0x100;
	s15 =	rddreg [dreg:$0x6]  }
0x29: {  	[tilespmem:s15], [sflag:$0x1] =	stream.indirect.gather [hbm4b:s3+s7], $0x20, s31, s7, $0xb8;
	[tilespmem:$0x1D400] =	vst v63  }
0x2a: {  	s30 =	rddreg [dreg:$0x7];
	s15 =	simm.s32 $0x180  }
0x2b: {  	[tilespmem:s30], [sflag:$0x1] =	stream.indirect.gather [hbm4b:s3+s7], $0x20, s15, s7, $0xb8;
	[tilespmem:$0x1D400] =	vst v63  }
0x2c: {  	s18 =	simm.s32 $0x200;
	s16 =	rddreg [dreg:$0x8]  }
0x2d: {  	[tilespmem:s16], [sflag:$0x1] =	stream.indirect.gather [hbm4b:s3+s7], $0x20, s18, s7, $0xb8;
	[tilespmem:$0x1D400] =	vst v63  }
0x2e: {  	s19 =	simm.s32 $0x280;
	s17 =	rddreg [dreg:$0x9]  }
0x2f: {  	[tilespmem:s17], [sflag:$0x1] =	stream.indirect.gather [hbm4b:s3+s7], $0x20, s19, s7, $0xb8;
	[tilespmem:$0x1D400] =	vst v63  }
0x30: {  	s21 =	simm.s32 $0x300;
	s20 =	rddreg [dreg:$0xa]  }
0x31: {  	[tilespmem:s20], [sflag:$0x1] =	stream.indirect.gather [hbm4b:s3+s7], $0x20, s21, s7, $0xb8;
	[tilespmem:$0x1D400] =	vst v63  }
0x32: {  	s23 =	simm.s32 $0x380;
	s22 =	rddreg [dreg:$0xb]  }
0x33: {  	[tilespmem:s22], [sflag:$0x1] =	stream.indirect.gather [hbm4b:s3+s7], $0x20, s23, s7, $0xb8;
	[tilespmem:$0x1D400] =	vst v63  }
0x34: {  	s25 =	simm.s32 $0x400;
	s24 =	rddreg [dreg:$0xc]  }
0x35: {  	[tilespmem:s24], [sflag:$0x1] =	stream.indirect.gather [hbm4b:s3+s7], $0x20, s25, s7, $0xb8;
	[tilespmem:$0x1D400] =	vst v63  }
0x36: {  	s28 =	simm.s32 $0x480;
	s26 =	rddreg [dreg:$0xd]  }
0x37: {  	[tilespmem:s26], [sflag:$0x1] =	stream.indirect.gather [hbm4b:s3+s7], $0x20, s28, s7, $0xb8;
	[tilespmem:$0x1D400] =	vst v63  }
0x38: {  	s29 =	rddreg [dreg:$0xe];
	s31 =	simm.s32 $0x500  }
0x39: {  	[tilespmem:s29], [sflag:$0x1] =	stream.indirect.gather [hbm4b:s3+s7], $0x20, s31, s7, $0xb8;
	[tilespmem:$0x1D400] =	vst v63  }
0x3a: {  	s30 =	rddreg [dreg:$0xf];
	s16 =	simm.s32 $0x580  }
0x3b: {  	[tilespmem:s30], [sflag:$0x1] =	stream.indirect.gather [hbm4b:s3+s7], $0x20, s16, s7, $0xb8;
	[tilespmem:$0x1D400] =	vst v63  }
0x3c: {  	s18 =	simm.s32 $0x600;
	s17 =	rddreg [dreg:$0x10]  }
0x3d: {  	[tilespmem:s17], [sflag:$0x1] =	stream.indirect.gather [hbm4b:s3+s7], $0x20, s18, s7, $0xb8;
	[tilespmem:$0x1D400] =	vst v63  }
0x3e: {  	s19 =	simm.s32 $0x680  }
0x3f: {  	[tilespmem:s9], [sflag:$0x2] =	stream.indirect.gather [hbm4b:s3+s7], $0x20, s19, s7, $0xb8;
	[tilespmem:$0x1D400] =	vst v63  }
0x40: {  	s20 =	rddreg [dreg:$0x11];
	s21 =	simm.s32 $0x700  }
0x41: {  	[tilespmem:s20], [sflag:$0x2] =	stream.indirect.gather [hbm4b:s3+s7], $0x20, s21, s7, $0xb8;
	[tilespmem:$0x1D400] =	vst v63  }
0x42: {  	s22 =	rddreg [dreg:$0x12];
	s23 =	simm.s32 $0x780  }
0x43: {  	[tilespmem:s22], [sflag:$0x2] =	stream.indirect.gather [hbm4b:s3+s7], $0x20, s23, s7, $0xb8;
	[tilespmem:$0x1D400] =	vst v63  }
0x44: {  	s24 =	rddreg [dreg:$0x13];
	s25 =	simm.s32 $0x800  }
0x45: {  	[tilespmem:s24], [sflag:$0x2] =	stream.indirect.gather [hbm4b:s3+s7], $0x20, s25, s7, $0xb8;
	[tilespmem:$0x1D400] =	vst v63  }
0x46: {  	s26 =	rddreg [dreg:$0x14];
	s28 =	simm.s32 $0x880  }
0x47: {  	[tilespmem:s26], [sflag:$0x2] =	stream.indirect.gather [hbm4b:s3+s7], $0x20, s28, s7, $0xb8;
	[tilespmem:$0x1D400] =	vst v63  }
0x48: {  	s29 =	rddreg [dreg:$0x15];
	s30 =	simm.s32 $0x900  }
0x49: {  	[tilespmem:s29], [sflag:$0x2] =	stream.indirect.gather [hbm4b:s3+s7], $0x20, s30, s7, $0xb8;
	[tilespmem:$0x1D400] =	vst v63  }
0x4a: {  	s31 =	rddreg [dreg:$0x16];
	s16 =	simm.s32 $0x980  }
0x4b: {  	[tilespmem:s31], [sflag:$0x2] =	stream.indirect.gather [hbm4b:s3+s7], $0x20, s16, s7, $0xb8;
	[tilespmem:$0x1D400] =	vst v63  }
0x4c: {  	s17 =	rddreg [dreg:$0x17];
	s19 =	simm.s32 $0xA00  }
0x4d: {  	[tilespmem:s17], [sflag:$0x2] =	stream.indirect.gather [hbm4b:s3+s7], $0x20, s19, s7, $0xb8;
	[tilespmem:$0x1D400] =	vst v63  }
0x4e: {  	s18 =	rddreg [dreg:$0x18];
	s20 =	simm.s32 $0xA80  }
0x4f: {  	[tilespmem:s18], [sflag:$0x2] =	stream.indirect.gather [hbm4b:s3+s7], $0x20, s20, s7, $0xb8;
	[tilespmem:$0x1D400] =	vst v63  }
0x50: {  	s21 =	rddreg [dreg:$0x19];
	s22 =	simm.s32 $0xB00  }
0x51: {  	[tilespmem:s21], [sflag:$0x2] =	stream.indirect.gather [hbm4b:s3+s7], $0x20, s22, s7, $0xb8;
	[tilespmem:$0x1D400] =	vst v63  }
0x52: {  	s23 =	rddreg [dreg:$0x1a];
	s25 =	simm.s32 $0xB80  }
0x53: {  	[tilespmem:s23], [sflag:$0x2] =	stream.indirect.gather [hbm4b:s3+s7], $0x20, s25, s7, $0xb8;
	[tilespmem:$0x1D400] =	vst v63  }
0x54: {  	s24 =	rddreg [dreg:$0x1b];
	s26 =	simm.s32 $0xC00  }
0x55: {  	[tilespmem:s24], [sflag:$0x2] =	stream.indirect.gather [hbm4b:s3+s7], $0x20, s26, s7, $0xb8;
	[tilespmem:$0x1D400] =	vst v63  }
0x56: {  	s28 =	rddreg [dreg:$0x1c];
	s29 =	simm.s32 $0xC80  }
0x57: {  	[tilespmem:s28], [sflag:$0x2] =	stream.indirect.gather [hbm4b:s3+s7], $0x20, s29, s7, $0xb8;
	[tilespmem:$0x1D400] =	vst v63  }
0x58: {  	_ =	swait.ge [sflag:s10], $0x1000  }
0x59: {  	[sflag:s10] =	ssyncset.done $0x0  }
0x5a: {  	[sflag:s10] =	ssyncadd.s32 $0xFFFFF000  }
0x5b: {  	_ =	swait.ge [sflag:s10], $0x1000  }
0x5c: {  	[sflag:s10] =	ssyncset.done $0x0  }
0x5d: {  	[sflag:s10] =	ssyncadd.s32 $0xFFFFF000  }
0x5e: {  	_ =	swait.ge [sflag:s10], $0x1000  }
0x5f: {  	[sflag:s10] =	ssyncset.done $0x0  }
0x60: {  	[sflag:s10] =	ssyncadd.s32 $0xFFFFF000  }
0x61: {  	_ =	swait.ge [sflag:s10], $0x1000  }
0x62: {  	[sflag:s10] =	ssyncset.done $0x0  }
0x63: {  	[sflag:s10] =	ssyncadd.s32 $0xFFFFF000  }
0x64: {  	_ =	swait.ge [sflag:s10], $0x1000  }
0x65: {  	[sflag:s10] =	ssyncset.done $0x0  }
0x66: {  	[sflag:s10] =	ssyncadd.s32 $0xFFFFF000  }
0x67: {  	_ =	swait.ge [sflag:s10], $0x1000  }
0x68: {  	[sflag:s10] =	ssyncset.done $0x0  }
0x69: {  	[sflag:s10] =	ssyncadd.s32 $0xFFFFF000  }
0x6a: {  	_ =	swait.ge [sflag:s10], $0x1000  }
0x6b: {  	[sflag:s10] =	ssyncset.done $0x0  }
0x6c: {  	[sflag:s10] =	ssyncadd.s32 $0xFFFFF000  }
0x6d: {  	_ =	swait.ge [sflag:s10], $0x1000  }
0x6e: {  	[sflag:s10] =	ssyncset.done $0x0  }
0x6f: {  	[sflag:s10] =	ssyncadd.s32 $0xFFFFF000  }
0x70: {  	_ =	swait.ge [sflag:s10], $0x1000  }
0x71: {  	[sflag:s10] =	ssyncset.done $0x0  }
0x72: {  	[sflag:s10] =	ssyncadd.s32 $0xFFFFF000  }
0x73: {  	_ =	swait.ge [sflag:s10], $0x1000  }
0x74: {  	[sflag:s10] =	ssyncset.done $0x0  }
0x75: {  	[sflag:s10] =	ssyncadd.s32 $0xFFFFF000  }
0x76: {  	_ =	swait.ge [sflag:s10], $0x1000  }
0x77: {  	[sflag:s10] =	ssyncset.done $0x0  }
0x78: {  	[sflag:s10] =	ssyncadd.s32 $0xFFFFF000  }
0x79: {  	_ =	swait.ge [sflag:s10], $0x1000  }
0x7a: {  	[sflag:s10] =	ssyncset.done $0x0  }
0x7b: {  	[sflag:s10] =	ssyncadd.s32 $0xFFFFF000  }
0x7c: {  	_ =	swait.ge [sflag:s10], $0x1000  }
0x7d: {  	s30 =	rddreg [dreg:$0x3];
	[sflag:s10] =	ssyncset.done $0x0  }
0x7e: {  	[sflag:s10] =	ssyncadd.s32 $0xFFFFF000;
	s13 =	sadd.s32 $0x0, s30  }
0x7f: {  	[hbm4b:s13+s2] =	stream.linear.scatter [tilespmem:s8], [sflag:$0x3], $0xD000, $0x38;
	[tilespmem:$0x1D400] =	vst v63  }
0x80: {  	_ =	swait.ge [sflag:s6], $0xD000  }
0x81: {  	[sflag:s6] =	ssyncset.done $0x0  }
0x82: {  	[sflag:s6] =	ssyncadd.s32 $0xFFFF3000  }
0x83: {  	_ =	swait.ge [sflag:s11], $0x1000  }
0x84: {  	[sflag:s11] =	ssyncset.done $0x0  }
0x85: {  	[sflag:s11] =	ssyncadd.s32 $0xFFFFF000  }
0x86: {  	_ =	swait.ge [sflag:s11], $0x1000  }
0x87: {  	[sflag:s11] =	ssyncset.done $0x0  }
0x88: {  	[sflag:s11] =	ssyncadd.s32 $0xFFFFF000  }
0x89: {  	_ =	swait.ge [sflag:s11], $0x1000  }
0x8a: {  	[sflag:s11] =	ssyncset.done $0x0  }
0x8b: {  	[sflag:s11] =	ssyncadd.s32 $0xFFFFF000  }
0x8c: {  	_ =	swait.ge [sflag:s11], $0x1000  }
0x8d: {  	[sflag:s11] =	ssyncset.done $0x0  }
0x8e: {  	[sflag:s11] =	ssyncadd.s32 $0xFFFFF000  }
0x8f: {  	_ =	swait.ge [sflag:s11], $0x1000  }
0x90: {  	[sflag:s11] =	ssyncset.done $0x0  }
0x91: {  	[sflag:s11] =	ssyncadd.s32 $0xFFFFF000  }
0x92: {  	_ =	swait.ge [sflag:s11], $0x1000  }
0x93: {  	[sflag:s11] =	ssyncset.done $0x0  }
0x94: {  	[sflag:s11] =	ssyncadd.s32 $0xFFFFF000  }
0x95: {  	_ =	swait.ge [sflag:s11], $0x1000  }
0x96: {  	[sflag:s11] =	ssyncset.done $0x0  }
0x97: {  	[sflag:s11] =	ssyncadd.s32 $0xFFFFF000  }
0x98: {  	_ =	swait.ge [sflag:s11], $0x1000  }
0x99: {  	[sflag:s11] =	ssyncset.done $0x0  }
0x9a: {  	[sflag:s11] =	ssyncadd.s32 $0xFFFFF000  }
0x9b: {  	_ =	swait.ge [sflag:s11], $0x1000  }
0x9c: {  	[sflag:s11] =	ssyncset.done $0x0  }
0x9d: {  	[sflag:s11] =	ssyncadd.s32 $0xFFFFF000  }
0x9e: {  	_ =	swait.ge [sflag:s11], $0x1000  }
0x9f: {  	[sflag:s11] =	ssyncset.done $0x0  }
0xa0: {  	[sflag:s11] =	ssyncadd.s32 $0xFFFFF000  }
0xa1: {  	_ =	swait.ge [sflag:s11], $0x1000  }
0xa2: {  	[sflag:s11] =	ssyncset.done $0x0  }
0xa3: {  	[sflag:s11] =	ssyncadd.s32 $0xFFFFF000  }
0xa4: {  	_ =	swait.ge [sflag:s11], $0x1000  }
0xa5: {  	[sflag:s11] =	ssyncset.done $0x0  }
0xa6: {  	[sflag:s11] =	ssyncadd.s32 $0xFFFFF000  }
0xa7: {  	_ =	swait.ge [sflag:s11], $0x1000  }
0xa8: {  	s31 =	rddreg [dreg:$0x4];
	[sflag:s11] =	ssyncset.done $0x0  }
0xa9: {  	[sflag:s11] =	ssyncadd.s32 $0xFFFFF000;
	s13 =	sadd.s32 $0x0, s31  }
0xaa: {  	[hbm4b:s13+s2] =	stream.linear.scatter [tilespmem:s9], [sflag:$0x3], $0xD000, $0x38;
	[tilespmem:$0x1D400] =	vst v63  }
0xab: {  	s14 =	simm.s32 $0x6800;
	s13 =	simm.s32 $0x3400;
	_ =	swait.ge [sflag:s6], $0xD000  }
.LBB2_2:
0xac: {  	[sflag:s6] =	ssyncset.done $0x0  }
0xad: {  	s16 =	sshra.s32 s13, $0x2;
	[sflag:s6] =	ssyncadd.s32 $0xFFFF3000  }
0xae: {  	[tilespmem:s8], [sflag:$0x1] =	stream.indirect.gather [hbm4b:s3+s7], $0x20, s16, s7, $0xb8;
	[tilespmem:$0x1D400] =	vst v63  }
0xaf: {  	s17 =	rddreg [dreg:$0x5];
	s18 =	sadd.s32 $0x80, s16  }
0xb0: {  	[tilespmem:s17], [sflag:$0x1] =	stream.indirect.gather [hbm4b:s3+s7], $0x20, s18, s7, $0xb8;
	[tilespmem:$0x1D400] =	vst v63  }
0xb1: {  	s20 =	rddreg [dreg:$0x6];
	s28 =	sadd.s32 $0x100, s16  }
0xb2: {  	[tilespmem:s20], [sflag:$0x1] =	stream.indirect.gather [hbm4b:s3+s7], $0x20, s28, s7, $0xb8;
	[tilespmem:$0x1D400] =	vst v63  }
0xb3: {  	s19 =	rddreg [dreg:$0x7];
	s29 =	sadd.s32 $0x180, s16  }
0xb4: {  	[tilespmem:s19], [sflag:$0x1] =	stream.indirect.gather [hbm4b:s3+s7], $0x20, s29, s7, $0xb8;
	[tilespmem:$0x1D400] =	vst v63  }
0xb5: {  	s31 =	rddreg [dreg:$0x8];
	s30 =	sadd.s32 $0x200, s16  }
0xb6: {  	[tilespmem:s31], [sflag:$0x1] =	stream.indirect.gather [hbm4b:s3+s7], $0x20, s30, s7, $0xb8;
	[tilespmem:$0x1D400] =	vst v63  }
0xb7: {  	s21 =	rddreg [dreg:$0x9];
	s22 =	sadd.s32 $0x280, s16  }
0xb8: {  	[tilespmem:s21], [sflag:$0x1] =	stream.indirect.gather [hbm4b:s3+s7], $0x20, s22, s7, $0xb8;
	[tilespmem:$0x1D400] =	vst v63  }
0xb9: {  	s23 =	rddreg [dreg:$0xa];
	s24 =	sadd.s32 $0x300, s16  }
0xba: {  	[tilespmem:s23], [sflag:$0x1] =	stream.indirect.gather [hbm4b:s3+s7], $0x20, s24, s7, $0xb8;
	[tilespmem:$0x1D400] =	vst v63  }
0xbb: {  	s26 =	rddreg [dreg:$0xb];
	s25 =	sadd.s32 $0x380, s16  }
0xbc: {  	[tilespmem:s26], [sflag:$0x1] =	stream.indirect.gather [hbm4b:s3+s7], $0x20, s25, s7, $0xb8;
	[tilespmem:$0x1D400] =	vst v63  }
0xbd: {  	s28 =	sadd.s32 $0x400, s16;
	s29 =	rddreg [dreg:$0xc]  }
0xbe: {  	[tilespmem:s29], [sflag:$0x1] =	stream.indirect.gather [hbm4b:s3+s7], $0x20, s28, s7, $0xb8;
	[tilespmem:$0x1D400] =	vst v63  }
0xbf: {  	s30 =	sadd.s32 $0x480, s16;
	s31 =	rddreg [dreg:$0xd]  }
0xc0: {  	[tilespmem:s31], [sflag:$0x1] =	stream.indirect.gather [hbm4b:s3+s7], $0x20, s30, s7, $0xb8;
	[tilespmem:$0x1D400] =	vst v63  }
0xc1: {  	s19 =	sadd.s32 $0x500, s16;
	s22 =	rddreg [dreg:$0xe]  }
0xc2: {  	[tilespmem:s22], [sflag:$0x1] =	stream.indirect.gather [hbm4b:s3+s7], $0x20, s19, s7, $0xb8;
	[tilespmem:$0x1D400] =	vst v63  }
0xc3: {  	s20 =	rddreg [dreg:$0xf];
	s23 =	sadd.s32 $0x580, s16  }
0xc4: {  	[tilespmem:s20], [sflag:$0x1] =	stream.indirect.gather [hbm4b:s3+s7], $0x20, s23, s7, $0xb8;
	[tilespmem:$0x1D400] =	vst v63  }
0xc5: {  	s24 =	rddreg [dreg:$0x10];
	s25 =	sadd.s32 $0x600, s16  }
0xc6: {  	[tilespmem:s24], [sflag:$0x1] =	stream.indirect.gather [hbm4b:s3+s7], $0x20, s25, s7, $0xb8;
	[tilespmem:$0x1D400] =	vst v63  }
0xc7: {  	s26 =	sadd.s32 $0x680, s16  }
0xc8: {  	[tilespmem:s9], [sflag:$0x2] =	stream.indirect.gather [hbm4b:s3+s7], $0x20, s26, s7, $0xb8;
	[tilespmem:$0x1D400] =	vst v63  }
0xc9: {  	s28 =	sadd.s32 $0x700, s16;
	s29 =	rddreg [dreg:$0x11]  }
0xca: {  	[tilespmem:s29], [sflag:$0x2] =	stream.indirect.gather [hbm4b:s3+s7], $0x20, s28, s7, $0xb8;
	[tilespmem:$0x1D400] =	vst v63  }
0xcb: {  	s30 =	sadd.s32 $0x780, s16;
	s31 =	rddreg [dreg:$0x12]  }
0xcc: {  	[tilespmem:s31], [sflag:$0x2] =	stream.indirect.gather [hbm4b:s3+s7], $0x20, s30, s7, $0xb8;
	[tilespmem:$0x1D400] =	vst v63  }
0xcd: {  	s22 =	rddreg [dreg:$0x13];
	s20 =	sadd.s32 $0x800, s16  }
0xce: {  	[tilespmem:s22], [sflag:$0x2] =	stream.indirect.gather [hbm4b:s3+s7], $0x20, s20, s7, $0xb8;
	[tilespmem:$0x1D400] =	vst v63  }
0xcf: {  	s23 =	sadd.s32 $0x880, s16;
	s24 =	rddreg [dreg:$0x14]  }
0xd0: {  	[tilespmem:s24], [sflag:$0x2] =	stream.indirect.gather [hbm4b:s3+s7], $0x20, s23, s7, $0xb8;
	[tilespmem:$0x1D400] =	vst v63  }
0xd1: {  	s25 =	sadd.s32 $0x900, s16;
	s26 =	rddreg [dreg:$0x15]  }
0xd2: {  	[tilespmem:s26], [sflag:$0x2] =	stream.indirect.gather [hbm4b:s3+s7], $0x20, s25, s7, $0xb8;
	[tilespmem:$0x1D400] =	vst v63  }
0xd3: {  	s28 =	sadd.s32 $0x980, s16;
	s29 =	rddreg [dreg:$0x16]  }
0xd4: {  	[tilespmem:s29], [sflag:$0x2] =	stream.indirect.gather [hbm4b:s3+s7], $0x20, s28, s7, $0xb8;
	[tilespmem:$0x1D400] =	vst v63  }
0xd5: {  	s30 =	sadd.s32 $0xA00, s16;
	s31 =	rddreg [dreg:$0x17]  }
0xd6: {  	[tilespmem:s31], [sflag:$0x2] =	stream.indirect.gather [hbm4b:s3+s7], $0x20, s30, s7, $0xb8;
	[tilespmem:$0x1D400] =	vst v63  }
0xd7: {  	s21 =	sadd.s32 $0xA80, s16;
	s19 =	rddreg [dreg:$0x18]  }
0xd8: {  	[tilespmem:s19], [sflag:$0x2] =	stream.indirect.gather [hbm4b:s3+s7], $0x20, s21, s7, $0xb8;
	[tilespmem:$0x1D400] =	vst v63  }
0xd9: {  	s22 =	rddreg [dreg:$0x19];
	s23 =	sadd.s32 $0xB00, s16  }
0xda: {  	[tilespmem:s22], [sflag:$0x2] =	stream.indirect.gather [hbm4b:s3+s7], $0x20, s23, s7, $0xb8;
	[tilespmem:$0x1D400] =	vst v63  }
0xdb: {  	s25 =	sadd.s32 $0xB80, s16;
	s26 =	rddreg [dreg:$0x1a]  }
0xdc: {  	[tilespmem:s26], [sflag:$0x2] =	stream.indirect.gather [hbm4b:s3+s7], $0x20, s25, s7, $0xb8;
	[tilespmem:$0x1D400] =	vst v63  }
0xdd: {  	s24 =	rddreg [dreg:$0x1b];
	s28 =	sadd.s32 $0xC00, s16  }
0xde: {  	[tilespmem:s24], [sflag:$0x2] =	stream.indirect.gather [hbm4b:s3+s7], $0x20, s28, s7, $0xb8;
	[tilespmem:$0x1D400] =	vst v63  }
0xdf: {  	s16 =	sadd.s32 $0xC80, s16;
	s29 =	rddreg [dreg:$0x1c]  }
0xe0: {  	[tilespmem:s29], [sflag:$0x2] =	stream.indirect.gather [hbm4b:s3+s7], $0x20, s16, s7, $0xb8;
	[tilespmem:$0x1D400] =	vst v63  }
0xe1: {  	_ =	swait.ge [sflag:s10], $0x1000  }
0xe2: {  	[sflag:s10] =	ssyncset.done $0x0  }
0xe3: {  	[sflag:s10] =	ssyncadd.s32 $0xFFFFF000  }
0xe4: {  	_ =	swait.ge [sflag:s10], $0x1000  }
0xe5: {  	[sflag:s10] =	ssyncset.done $0x0  }
0xe6: {  	[sflag:s10] =	ssyncadd.s32 $0xFFFFF000  }
0xe7: {  	_ =	swait.ge [sflag:s10], $0x1000  }
0xe8: {  	[sflag:s10] =	ssyncset.done $0x0  }
0xe9: {  	[sflag:s10] =	ssyncadd.s32 $0xFFFFF000  }
0xea: {  	_ =	swait.ge [sflag:s10], $0x1000  }
0xeb: {  	[sflag:s10] =	ssyncset.done $0x0  }
0xec: {  	[sflag:s10] =	ssyncadd.s32 $0xFFFFF000  }
0xed: {  	_ =	swait.ge [sflag:s10], $0x1000  }
0xee: {  	[sflag:s10] =	ssyncset.done $0x0  }
0xef: {  	[sflag:s10] =	ssyncadd.s32 $0xFFFFF000  }
0xf0: {  	_ =	swait.ge [sflag:s10], $0x1000  }
0xf1: {  	[sflag:s10] =	ssyncset.done $0x0  }
0xf2: {  	[sflag:s10] =	ssyncadd.s32 $0xFFFFF000  }
0xf3: {  	_ =	swait.ge [sflag:s10], $0x1000  }
0xf4: {  	[sflag:s10] =	ssyncset.done $0x0  }
0xf5: {  	[sflag:s10] =	ssyncadd.s32 $0xFFFFF000  }
0xf6: {  	_ =	swait.ge [sflag:s10], $0x1000  }
0xf7: {  	[sflag:s10] =	ssyncset.done $0x0  }
0xf8: {  	[sflag:s10] =	ssyncadd.s32 $0xFFFFF000  }
0xf9: {  	_ =	swait.ge [sflag:s10], $0x1000  }
0xfa: {  	[sflag:s10] =	ssyncset.done $0x0  }
0xfb: {  	[sflag:s10] =	ssyncadd.s32 $0xFFFFF000  }
0xfc: {  	_ =	swait.ge [sflag:s10], $0x1000  }
0xfd: {  	[sflag:s10] =	ssyncset.done $0x0  }
0xfe: {  	[sflag:s10] =	ssyncadd.s32 $0xFFFFF000  }
0xff: {  	_ =	swait.ge [sflag:s10], $0x1000  }
0x100: {  	[sflag:s10] =	ssyncset.done $0x0  }
0x101: {  	[sflag:s10] =	ssyncadd.s32 $0xFFFFF000  }
0x102: {  	_ =	swait.ge [sflag:s10], $0x1000  }
0x103: {  	[sflag:s10] =	ssyncset.done $0x0  }
0x104: {  	[sflag:s10] =	ssyncadd.s32 $0xFFFFF000  }
0x105: {  	_ =	swait.ge [sflag:s10], $0x1000  }
0x106: {  	s30 =	rddreg [dreg:$0x3];
	[sflag:s10] =	ssyncset.done $0x0  }
0x107: {  	[sflag:s10] =	ssyncadd.s32 $0xFFFFF000;
	s16 =	sadd.s32 s13, s30  }
0x108: {  	[hbm4b:s16+s2] =	stream.linear.scatter [tilespmem:s8], [sflag:$0x3], $0xD000, $0x38;
	[tilespmem:$0x1D400] =	vst v63  }
0x109: {  	_ =	swait.ge [sflag:s6], $0xD000  }
0x10a: {  	[sflag:s6] =	ssyncset.done $0x0  }
0x10b: {  	[sflag:s6] =	ssyncadd.s32 $0xFFFF3000  }
0x10c: {  	_ =	swait.ge [sflag:s11], $0x1000  }
0x10d: {  	[sflag:s11] =	ssyncset.done $0x0  }
0x10e: {  	[sflag:s11] =	ssyncadd.s32 $0xFFFFF000  }
0x10f: {  	_ =	swait.ge [sflag:s11], $0x1000  }
0x110: {  	[sflag:s11] =	ssyncset.done $0x0  }
0x111: {  	[sflag:s11] =	ssyncadd.s32 $0xFFFFF000  }
0x112: {  	_ =	swait.ge [sflag:s11], $0x1000  }
0x113: {  	[sflag:s11] =	ssyncset.done $0x0  }
0x114: {  	[sflag:s11] =	ssyncadd.s32 $0xFFFFF000  }
0x115: {  	_ =	swait.ge [sflag:s11], $0x1000  }
0x116: {  	[sflag:s11] =	ssyncset.done $0x0  }
0x117: {  	[sflag:s11] =	ssyncadd.s32 $0xFFFFF000  }
0x118: {  	_ =	swait.ge [sflag:s11], $0x1000  }
0x119: {  	[sflag:s11] =	ssyncset.done $0x0  }
0x11a: {  	[sflag:s11] =	ssyncadd.s32 $0xFFFFF000  }
0x11b: {  	_ =	swait.ge [sflag:s11], $0x1000  }
0x11c: {  	[sflag:s11] =	ssyncset.done $0x0  }
0x11d: {  	[sflag:s11] =	ssyncadd.s32 $0xFFFFF000  }
0x11e: {  	_ =	swait.ge [sflag:s11], $0x1000  }
0x11f: {  	[sflag:s11] =	ssyncset.done $0x0  }
0x120: {  	[sflag:s11] =	ssyncadd.s32 $0xFFFFF000  }
0x121: {  	_ =	swait.ge [sflag:s11], $0x1000  }
0x122: {  	[sflag:s11] =	ssyncset.done $0x0  }
0x123: {  	[sflag:s11] =	ssyncadd.s32 $0xFFFFF000  }
0x124: {  	_ =	swait.ge [sflag:s11], $0x1000  }
0x125: {  	[sflag:s11] =	ssyncset.done $0x0  }
0x126: {  	[sflag:s11] =	ssyncadd.s32 $0xFFFFF000  }
0x127: {  	_ =	swait.ge [sflag:s11], $0x1000  }
0x128: {  	[sflag:s11] =	ssyncset.done $0x0  }
0x129: {  	[sflag:s11] =	ssyncadd.s32 $0xFFFFF000  }
0x12a: {  	_ =	swait.ge [sflag:s11], $0x1000  }
0x12b: {  	[sflag:s11] =	ssyncset.done $0x0  }
0x12c: {  	[sflag:s11] =	ssyncadd.s32 $0xFFFFF000  }
0x12d: {  	_ =	swait.ge [sflag:s11], $0x1000  }
0x12e: {  	[sflag:s11] =	ssyncset.done $0x0  }
0x12f: {  	p0 =	sne.s32 s14, $0x9C00;
	[sflag:s11] =	ssyncadd.s32 $0xFFFFF000  }
.Ltmp0:
0x130: {  	_ =	swait.ge [sflag:s11], $0x1000;
	(pc) =	sbr.rel @p0 .LBB2_2-.Ltmp0, $4  }
0x131: {  	s31 =	rddreg [dreg:$0x4];
	[sflag:s11] =	ssyncset.done $0x0  }
0x132: {  	s15 =	smov.u32 s14;
	[sflag:s11] =	ssyncadd.s32 $0xFFFFF000;
	s16 =	sadd.s32 s13, s31  }
0x133: {  	[hbm4b:s16+s2] =	stream.linear.scatter [tilespmem:s9], [sflag:$0x3], $0xD000, $0x38;
	[tilespmem:$0x1D400] =	vst v63  }
0x134: {  	s14 =	sadd.s32 $0x3400, s14;
	s13 =	smov.u32 s15;
	_ =	swait.ge [sflag:s6], $0xD000  }
0x135: {  	[sflag:s6] =	ssyncset.done $0x0  }
0x136: {  	s14 =	sshra.s32 s13, $0x2;
	[sflag:s6] =	ssyncadd.s32 $0xFFFF3000  }
0x137: {  	[tilespmem:s8], [sflag:$0x1] =	stream.indirect.gather [hbm4b:s3+s7], $0x20, s14, s7, $0xb8;
	[tilespmem:$0x1D400] =	vst v63  }
0x138: {  	s15 =	rddreg [dreg:$0x5];
	s16 =	sadd.s32 $0x80, s14  }
0x139: {  	[tilespmem:s15], [sflag:$0x1] =	stream.indirect.gather [hbm4b:s3+s7], $0x20, s16, s7, $0xb8;
	[tilespmem:$0x1D400] =	vst v63  }
0x13a: {  	s17 =	rddreg [dreg:$0x6];
	s26 =	sadd.s32 $0x100, s14  }
0x13b: {  	[tilespmem:s17], [sflag:$0x1] =	stream.indirect.gather [hbm4b:s3+s7], $0x20, s26, s7, $0xb8;
	[tilespmem:$0x1D400] =	vst v63  }
0x13c: {  	s25 =	rddreg [dreg:$0x7];
	s28 =	sadd.s32 $0x180, s14  }
0x13d: {  	[tilespmem:s25], [sflag:$0x1] =	stream.indirect.gather [hbm4b:s3+s7], $0x20, s28, s7, $0xb8;
	[tilespmem:$0x1D400] =	vst v63  }
0x13e: {  	s29 =	rddreg [dreg:$0x8];
	s31 =	sadd.s32 $0x200, s14  }
0x13f: {  	[tilespmem:s29], [sflag:$0x1] =	stream.indirect.gather [hbm4b:s3+s7], $0x20, s31, s7, $0xb8;
	[tilespmem:$0x1D400] =	vst v63  }
0x140: {  	s30 =	rddreg [dreg:$0x9];
	s17 =	sadd.s32 $0x280, s14  }
0x141: {  	[tilespmem:s30], [sflag:$0x1] =	stream.indirect.gather [hbm4b:s3+s7], $0x20, s17, s7, $0xb8;
	[tilespmem:$0x1D400] =	vst v63  }
0x142: {  	s18 =	rddreg [dreg:$0xa];
	s19 =	sadd.s32 $0x300, s14  }
0x143: {  	[tilespmem:s18], [sflag:$0x1] =	stream.indirect.gather [hbm4b:s3+s7], $0x20, s19, s7, $0xb8;
	[tilespmem:$0x1D400] =	vst v63  }
0x144: {  	s20 =	rddreg [dreg:$0xb];
	s21 =	sadd.s32 $0x380, s14  }
0x145: {  	[tilespmem:s20], [sflag:$0x1] =	stream.indirect.gather [hbm4b:s3+s7], $0x20, s21, s7, $0xb8;
	[tilespmem:$0x1D400] =	vst v63  }
0x146: {  	s22 =	rddreg [dreg:$0xc];
	s23 =	sadd.s32 $0x400, s14  }
0x147: {  	[tilespmem:s22], [sflag:$0x1] =	stream.indirect.gather [hbm4b:s3+s7], $0x20, s23, s7, $0xb8;
	[tilespmem:$0x1D400] =	vst v63  }
0x148: {  	s24 =	rddreg [dreg:$0xd];
	s25 =	sadd.s32 $0x480, s14  }
0x149: {  	[tilespmem:s24], [sflag:$0x1] =	stream.indirect.gather [hbm4b:s3+s7], $0x20, s25, s7, $0xb8;
	[tilespmem:$0x1D400] =	vst v63  }
0x14a: {  	s26 =	rddreg [dreg:$0xe];
	s29 =	sadd.s32 $0x500, s14  }
0x14b: {  	[tilespmem:s26], [sflag:$0x1] =	stream.indirect.gather [hbm4b:s3+s7], $0x20, s29, s7, $0xb8;
	[tilespmem:$0x1D400] =	vst v63  }
0x14c: {  	s28 =	rddreg [dreg:$0xf];
	s30 =	sadd.s32 $0x580, s14  }
0x14d: {  	[tilespmem:s28], [sflag:$0x1] =	stream.indirect.gather [hbm4b:s3+s7], $0x20, s30, s7, $0xb8;
	[tilespmem:$0x1D400] =	vst v63  }
0x14e: {  	s16 =	sadd.s32 $0x600, s14;
	s31 =	rddreg [dreg:$0x10]  }
0x14f: {  	[tilespmem:s31], [sflag:$0x1] =	stream.indirect.gather [hbm4b:s3+s7], $0x20, s16, s7, $0xb8;
	[tilespmem:$0x1D400] =	vst v63  }
0x150: {  	s17 =	sadd.s32 $0x680, s14  }
0x151: {  	[tilespmem:s9], [sflag:$0x2] =	stream.indirect.gather [hbm4b:s3+s7], $0x20, s17, s7, $0xb8;
	[tilespmem:$0x1D400] =	vst v63  }
0x152: {  	s18 =	rddreg [dreg:$0x11];
	s19 =	sadd.s32 $0x700, s14  }
0x153: {  	[tilespmem:s18], [sflag:$0x2] =	stream.indirect.gather [hbm4b:s3+s7], $0x20, s19, s7, $0xb8;
	[tilespmem:$0x1D400] =	vst v63  }
0x154: {  	s20 =	rddreg [dreg:$0x12];
	s21 =	sadd.s32 $0x780, s14  }
0x155: {  	[tilespmem:s20], [sflag:$0x2] =	stream.indirect.gather [hbm4b:s3+s7], $0x20, s21, s7, $0xb8;
	[tilespmem:$0x1D400] =	vst v63  }
0x156: {  	s22 =	rddreg [dreg:$0x13];
	s23 =	sadd.s32 $0x800, s14  }
0x157: {  	[tilespmem:s22], [sflag:$0x2] =	stream.indirect.gather [hbm4b:s3+s7], $0x20, s23, s7, $0xb8;
	[tilespmem:$0x1D400] =	vst v63  }
0x158: {  	s24 =	rddreg [dreg:$0x14];
	s25 =	sadd.s32 $0x880, s14  }
0x159: {  	[tilespmem:s24], [sflag:$0x2] =	stream.indirect.gather [hbm4b:s3+s7], $0x20, s25, s7, $0xb8;
	[tilespmem:$0x1D400] =	vst v63  }
0x15a: {  	s26 =	rddreg [dreg:$0x15];
	s28 =	sadd.s32 $0x900, s14  }
0x15b: {  	[tilespmem:s26], [sflag:$0x2] =	stream.indirect.gather [hbm4b:s3+s7], $0x20, s28, s7, $0xb8;
	[tilespmem:$0x1D400] =	vst v63  }
0x15c: {  	s29 =	rddreg [dreg:$0x16];
	s30 =	sadd.s32 $0x980, s14  }
0x15d: {  	[tilespmem:s29], [sflag:$0x2] =	stream.indirect.gather [hbm4b:s3+s7], $0x20, s30, s7, $0xb8;
	[tilespmem:$0x1D400] =	vst v63  }
0x15e: {  	s31 =	rddreg [dreg:$0x17];
	s19 =	sadd.s32 $0xA00, s14  }
0x15f: {  	[tilespmem:s31], [sflag:$0x2] =	stream.indirect.gather [hbm4b:s3+s7], $0x20, s19, s7, $0xb8;
	[tilespmem:$0x1D400] =	vst v63  }
0x160: {  	s18 =	rddreg [dreg:$0x18];
	s20 =	sadd.s32 $0xA80, s14  }
0x161: {  	[tilespmem:s18], [sflag:$0x2] =	stream.indirect.gather [hbm4b:s3+s7], $0x20, s20, s7, $0xb8;
	[tilespmem:$0x1D400] =	vst v63  }
0x162: {  	s21 =	rddreg [dreg:$0x19];
	s22 =	sadd.s32 $0xB00, s14  }
0x163: {  	[tilespmem:s21], [sflag:$0x2] =	stream.indirect.gather [hbm4b:s3+s7], $0x20, s22, s7, $0xb8;
	[tilespmem:$0x1D400] =	vst v63  }
0x164: {  	s23 =	rddreg [dreg:$0x1a];
	s25 =	sadd.s32 $0xB80, s14  }
0x165: {  	[tilespmem:s23], [sflag:$0x2] =	stream.indirect.gather [hbm4b:s3+s7], $0x20, s25, s7, $0xb8;
	[tilespmem:$0x1D400] =	vst v63  }
0x166: {  	s24 =	rddreg [dreg:$0x1b];
	s26 =	sadd.s32 $0xC00, s14  }
0x167: {  	[tilespmem:s24], [sflag:$0x2] =	stream.indirect.gather [hbm4b:s3+s7], $0x20, s26, s7, $0xb8;
	[tilespmem:$0x1D400] =	vst v63  }
0x168: {  	s28 =	rddreg [dreg:$0x1c];
	s14 =	sadd.s32 $0xC80, s14  }
0x169: {  	[tilespmem:s28], [sflag:$0x2] =	stream.indirect.gather [hbm4b:s3+s7], $0x20, s14, s7, $0xb8;
	[tilespmem:$0x1D400] =	vst v63  }
0x16a: {  	_ =	swait.ge [sflag:s10], $0x1000  }
0x16b: {  	[sflag:s10] =	ssyncset.done $0x0  }
0x16c: {  	[sflag:s10] =	ssyncadd.s32 $0xFFFFF000  }
0x16d: {  	_ =	swait.ge [sflag:s10], $0x1000  }
0x16e: {  	[sflag:s10] =	ssyncset.done $0x0  }
0x16f: {  	[sflag:s10] =	ssyncadd.s32 $0xFFFFF000  }
0x170: {  	_ =	swait.ge [sflag:s10], $0x1000  }
0x171: {  	[sflag:s10] =	ssyncset.done $0x0  }
0x172: {  	[sflag:s10] =	ssyncadd.s32 $0xFFFFF000  }
0x173: {  	_ =	swait.ge [sflag:s10], $0x1000  }
0x174: {  	[sflag:s10] =	ssyncset.done $0x0  }
0x175: {  	[sflag:s10] =	ssyncadd.s32 $0xFFFFF000  }
0x176: {  	_ =	swait.ge [sflag:s10], $0x1000  }
0x177: {  	[sflag:s10] =	ssyncset.done $0x0  }
0x178: {  	[sflag:s10] =	ssyncadd.s32 $0xFFFFF000  }
0x179: {  	_ =	swait.ge [sflag:s10], $0x1000  }
0x17a: {  	[sflag:s10] =	ssyncset.done $0x0  }
0x17b: {  	[sflag:s10] =	ssyncadd.s32 $0xFFFFF000  }
0x17c: {  	_ =	swait.ge [sflag:s10], $0x1000  }
0x17d: {  	[sflag:s10] =	ssyncset.done $0x0  }
0x17e: {  	[sflag:s10] =	ssyncadd.s32 $0xFFFFF000  }
0x17f: {  	_ =	swait.ge [sflag:s10], $0x1000  }
0x180: {  	[sflag:s10] =	ssyncset.done $0x0  }
0x181: {  	[sflag:s10] =	ssyncadd.s32 $0xFFFFF000  }
0x182: {  	_ =	swait.ge [sflag:s10], $0x1000  }
0x183: {  	[sflag:s10] =	ssyncset.done $0x0  }
0x184: {  	[sflag:s10] =	ssyncadd.s32 $0xFFFFF000  }
0x185: {  	_ =	swait.ge [sflag:s10], $0x1000  }
0x186: {  	[sflag:s10] =	ssyncset.done $0x0  }
0x187: {  	[sflag:s10] =	ssyncadd.s32 $0xFFFFF000  }
0x188: {  	_ =	swait.ge [sflag:s10], $0x1000  }
0x189: {  	[sflag:s10] =	ssyncset.done $0x0  }
0x18a: {  	[sflag:s10] =	ssyncadd.s32 $0xFFFFF000  }
0x18b: {  	_ =	swait.ge [sflag:s10], $0x1000  }
0x18c: {  	[sflag:s10] =	ssyncset.done $0x0  }
0x18d: {  	[sflag:s10] =	ssyncadd.s32 $0xFFFFF000  }
0x18e: {  	_ =	swait.ge [sflag:s10], $0x1000  }
0x18f: {  	s29 =	rddreg [dreg:$0x3];
	[sflag:s10] =	ssyncset.done $0x0  }
0x190: {  	[sflag:s10] =	ssyncadd.s32 $0xFFFFF000;
	s14 =	sadd.s32 s13, s29  }
0x191: {  	[hbm4b:s14+s2] =	stream.linear.scatter [tilespmem:s8], [sflag:$0x3], $0xD000, $0x38;
	[tilespmem:$0x1D400] =	vst v63  }
0x192: {  	_ =	swait.ge [sflag:s6], $0xD000  }
0x193: {  	[sflag:s6] =	ssyncset.done $0x0  }
0x194: {  	[sflag:s6] =	ssyncadd.s32 $0xFFFF3000  }
0x195: {  	_ =	swait.ge [sflag:s11], $0x1000  }
0x196: {  	[sflag:s11] =	ssyncset.done $0x0  }
0x197: {  	[sflag:s11] =	ssyncadd.s32 $0xFFFFF000  }
0x198: {  	_ =	swait.ge [sflag:s11], $0x1000  }
0x199: {  	[sflag:s11] =	ssyncset.done $0x0  }
0x19a: {  	[sflag:s11] =	ssyncadd.s32 $0xFFFFF000  }
0x19b: {  	_ =	swait.ge [sflag:s11], $0x1000  }
0x19c: {  	[sflag:s11] =	ssyncset.done $0x0  }
0x19d: {  	[sflag:s11] =	ssyncadd.s32 $0xFFFFF000  }
0x19e: {  	_ =	swait.ge [sflag:s11], $0x1000  }
0x19f: {  	[sflag:s11] =	ssyncset.done $0x0  }
0x1a0: {  	[sflag:s11] =	ssyncadd.s32 $0xFFFFF000  }
0x1a1: {  	_ =	swait.ge [sflag:s11], $0x1000  }
0x1a2: {  	[sflag:s11] =	ssyncset.done $0x0  }
0x1a3: {  	[sflag:s11] =	ssyncadd.s32 $0xFFFFF000  }
0x1a4: {  	_ =	swait.ge [sflag:s11], $0x1000  }
0x1a5: {  	[sflag:s11] =	ssyncset.done $0x0  }
0x1a6: {  	[sflag:s11] =	ssyncadd.s32 $0xFFFFF000  }
0x1a7: {  	_ =	swait.ge [sflag:s11], $0x1000  }
0x1a8: {  	[sflag:s11] =	ssyncset.done $0x0  }
0x1a9: {  	[sflag:s11] =	ssyncadd.s32 $0xFFFFF000  }
0x1aa: {  	_ =	swait.ge [sflag:s11], $0x1000  }
0x1ab: {  	[sflag:s11] =	ssyncset.done $0x0  }
0x1ac: {  	[sflag:s11] =	ssyncadd.s32 $0xFFFFF000  }
0x1ad: {  	_ =	swait.ge [sflag:s11], $0x1000  }
0x1ae: {  	[sflag:s11] =	ssyncset.done $0x0  }
0x1af: {  	[sflag:s11] =	ssyncadd.s32 $0xFFFFF000  }
0x1b0: {  	_ =	swait.ge [sflag:s11], $0x1000  }
0x1b1: {  	[sflag:s11] =	ssyncset.done $0x0  }
0x1b2: {  	[sflag:s11] =	ssyncadd.s32 $0xFFFFF000  }
0x1b3: {  	_ =	swait.ge [sflag:s11], $0x1000  }
0x1b4: {  	[sflag:s11] =	ssyncset.done $0x0  }
0x1b5: {  	[sflag:s11] =	ssyncadd.s32 $0xFFFFF000  }
0x1b6: {  	_ =	swait.ge [sflag:s11], $0x1000  }
0x1b7: {  	[sflag:s11] =	ssyncset.done $0x0  }
0x1b8: {  	[sflag:s11] =	ssyncadd.s32 $0xFFFFF000  }
0x1b9: {  	s12 =	sadd.s32 $0x1, s12;
	_ =	swait.ge [sflag:s11], $0x1000  }
0x1ba: {  	p0 =	sne.s32 s12, s5;
	s30 =	rddreg [dreg:$0x4];
	[sflag:s11] =	ssyncset.done $0x0  }
.Ltmp1:
0x1bb: {  	[sflag:s11] =	ssyncadd.s32 $0xFFFFF000;
	s31 =	sadd.s32 s13, s30;
	(pc) =	sbr.rel @p0 .LBB2_1-.Ltmp1, $4  }
0x1bc: {  	[hbm4b:s31+s2] =	stream.linear.scatter [tilespmem:s9], [sflag:$0x3], $0xD000, $0x38;
	[tilespmem:$0x1D400] =	vst v63  }
0x1bd: {  	_ =	swait.ge [sflag:s6], $0xD000  }
0x1be: {  	[sflag:s6] =	ssyncset.done $0x0  }
0x1bf: {  	[sflag:s6] =	ssyncadd.s32 $0xFFFF3000  }
0x1c0: {  	_ =	sfence.sel $0x180000  }
0x1c1: {  	[bflag:$0x0] =	sbarrier.arrive $0xFFFF  }
0x1c2: {  	p0 =	sne.s32 s0, $0x0;
	_ =	strace $0x90000047  }
0x1c3: {  	s0 =	sadd.s32 @!p0 $0x100000, s1;
	[bflag:$0x2] =	sbarrier.arrive $0xFFFF  }
0x1c4: {  	[sflag:s0] =	ssyncadd.tile.s32 @!p0 $0x1;
	_ =	shalt  }
.Lfunc_end2:
_tile_overlayer_lowered:
.L_overlay_start_2:
0x1c5: {  	(tag) =	ssettag $0x2  }
0x1c6: {  	s0 =	rddreg [dreg:$0x0];
	s2 =	stileid.u32  }
0x1c7: {  	s1 =	rddreg [dreg:$0x1];
	p0 =	sne.s32 s2, $0x0  }
0x1c8: {  	s3 =	rddreg [dreg:$0x2];
	[bflag:$0x3] =	sbarrier.arrive $0xFFFF;
	s2 =	simm.s32 @!p0 $0x1C03  }
0x1c9: {  	[timem:s3], [sflag:s2] =	dma.local @!p0 [hbm:s0], s1  }
0x1ca: {  	s0 =	simm.s32 @!p0 $0x3  }
0x1cb: {  	_ =	swait.ge @!p0 [sflag:s0], s1  }
0x1cc: {  	s1 =	ssub.s32 @!p0 $0x0, s1;
	[sflag:s0] =	ssyncset.done @!p0 $0x0  }
0x1cd: {  	[sflag:s0] =	ssyncadd.s32 @!p0 s1  }
0x1ce: {  	[bflag:$0x3] =	sbarrier.arrive $0xFFFF  }
0x1cf: {  	_ =	shalt  }

</sc_bundles>
